<compile_context>
chip_gen: v7x
topology: tpu7x:2x2x1
jax: 0.10.2.dev20260603
libtpu: 0.0.44.dev20260713+nightly
codegen_flags: <defaults>
</compile_context>

<pallas_src>
import functools

import jax
import jax.numpy as jnp
from jax import lax
from jax.experimental import pallas as pl
from jax.experimental.pallas import tpu as pltpu
from jax.experimental.pallas import tpu_sc as plsc

N = 10000
E = 320000
D_IN = 512
D = 128


_ROWS = 2000


def _proj_body(x_ref, wfc_ref, bfc_ref, wg0_ref, wg1_ref, out_ref):
    x = x_ref[...]
    h = jnp.dot(x, wfc_ref[...].T, preferred_element_type=jnp.float32)
    h = h + bfc_ref[...]
    h = jnp.where(h > 0, h, jnp.exp(h) - 1.0)
    out_ref[0] = jnp.dot(h, wg0_ref[...].T, preferred_element_type=jnp.float32)
    out_ref[1] = jnp.dot(h, wg1_ref[...].T, preferred_element_type=jnp.float32)


def _proj(feats0, W_fc, b_fc, W_g0, W_g1):
    return pl.pallas_call(
        _proj_body,
        grid=(N // _ROWS,),
        in_specs=[
            pl.BlockSpec((_ROWS, D_IN), lambda i: (i, 0)),
            pl.BlockSpec((D, D_IN), lambda i: (0, 0)),
            pl.BlockSpec((1, D), lambda i: (0, 0)),
            pl.BlockSpec((D, D), lambda i: (0, 0)),
            pl.BlockSpec((D, D), lambda i: (0, 0)),
        ],
        out_specs=pl.BlockSpec((2, _ROWS, D), lambda i: (0, i, 0)),
        out_shape=jax.ShapeDtypeStruct((2, N, D), jnp.float32),
    )(feats0, W_fc, b_fc.reshape(1, D), W_g0, W_g1)



_CH = 80
_TILES = 16
_EPT = E // _TILES
_NCHUNK = _EPT // _CH
_NPT = 624
_NREM = N - _NPT * _TILES
_RB = 4
_IB = 6


def _sc_edge_kernel(edges, ew, seq2n):
    mesh = plsc.VectorSubcoreMesh(core_axis_name="c", subcore_axis_name="s")

    @functools.partial(
        pl.kernel,
        mesh=mesh,
        out_type=jax.ShapeDtypeStruct((2, N, D), jnp.float32),
        scratch_types=[
            pltpu.VMEM((_IB, 2, _CH), jnp.int32),
            pltpu.VMEM((_IB, _CH + 16), jnp.float32),
            pltpu.VMEM((_RB, _CH, D), jnp.float32),
            pltpu.VMEM_SHARED((N, D), jnp.float32),
            pltpu.SemaphoreType.DMA((_IB,)),
            pltpu.SemaphoreType.DMA((_RB,)),
        ],
    )
    def k(edges_hbm, ew_hbm, seq_hbm, out_hbm, idx_v, ew_v, rows_v, acc,
          semi, semg):
        c = lax.axis_index("c")
        s = lax.axis_index("s")

        def _zrow(k_, carry):
            for j in range(D // 16):
                rows_v[0, k_, pl.ds(16 * j, 16)] = jnp.zeros((16,), jnp.float32)
            return carry
        lax.fori_loop(0, _CH, _zrow, 0)
        nbase = s * _NPT
        for p in range(_NPT // _CH):
            pltpu.sync_copy(rows_v.at[0], acc.at[pl.ds(nbase + p * _CH, _CH)])
        rem = _NPT - (_NPT // _CH) * _CH
        pltpu.sync_copy(rows_v.at[0, pl.ds(0, rem)],
                        acc.at[pl.ds(nbase + (_NPT // _CH) * _CH, rem)])

        @pl.when(s == _TILES - 1)
        def _():
            pltpu.sync_copy(rows_v.at[0, pl.ds(0, _NREM)],
                            acc.at[pl.ds(_NPT * _TILES, _NREM)])

        plsc.subcore_barrier()

        pltpu.sync_copy(edges_hbm.at[c, s, 0], idx_v.at[0])
        pltpu.sync_copy(ew_hbm.at[c, s, 0], ew_v.at[0, pl.ds(0, _CH)])
        pltpu.async_copy(edges_hbm.at[c, s, 1], idx_v.at[1], semi.at[1])
        pltpu.async_copy(ew_hbm.at[c, s, 1], ew_v.at[1, pl.ds(0, _CH)],
                         semi.at[1])
        pltpu.async_copy(edges_hbm.at[c, s, 2], idx_v.at[2], semi.at[2])
        pltpu.async_copy(ew_hbm.at[c, s, 2], ew_v.at[2, pl.ds(0, _CH)],
                         semi.at[2])
        pltpu.async_copy(seq_hbm.at[idx_v.at[0, 0]], rows_v.at[0], semg.at[0])
        pltpu.make_async_copy(edges_hbm.at[c, s, 1], idx_v.at[1],
                              semi.at[1]).wait()
        pltpu.make_async_copy(ew_hbm.at[c, s, 1], ew_v.at[1, pl.ds(0, _CH)],
                              semi.at[1]).wait()
        pltpu.async_copy(seq_hbm.at[idx_v.at[1, 0]], rows_v.at[1], semg.at[1])
        pltpu.async_copy(edges_hbm.at[c, s, 3], idx_v.at[3], semi.at[3])
        pltpu.async_copy(ew_hbm.at[c, s, 3], ew_v.at[3, pl.ds(0, _CH)],
                         semi.at[3])
        pltpu.make_async_copy(edges_hbm.at[c, s, 2], idx_v.at[2],
                              semi.at[2]).wait()
        pltpu.make_async_copy(ew_hbm.at[c, s, 2], ew_v.at[2, pl.ds(0, _CH)],
                              semi.at[2]).wait()
        pltpu.async_copy(seq_hbm.at[idx_v.at[2, 0]], rows_v.at[2], semg.at[2])

        def body(g, carry):
            a = lax.rem(g, _RB)
            a3 = lax.rem(g + 3, _RB)
            i0 = lax.rem(g, _IB)
            i3 = lax.rem(g + 3, _IB)
            i4 = lax.rem(g + 4, _IB)
            pltpu.make_async_copy(seq_hbm.at[idx_v.at[i0, 0]],
                                  rows_v.at[a], semg.at[a]).wait()

            @pl.when(g < _NCHUNK - 3)
            def _():
                pltpu.make_async_copy(edges_hbm.at[c, s, g + 3],
                                      idx_v.at[i3], semi.at[i3]).wait()
                pltpu.make_async_copy(ew_hbm.at[c, s, g + 3],
                                      ew_v.at[i3, pl.ds(0, _CH)],
                                      semi.at[i3]).wait()
                pltpu.async_copy(seq_hbm.at[idx_v.at[i3, 0]],
                                 rows_v.at[a3], semg.at[a3])

            @pl.when(g < _NCHUNK - 4)
            def _():
                pltpu.async_copy(edges_hbm.at[c, s, g + 4],
                                 idx_v.at[i4], semi.at[i4])
                pltpu.async_copy(ew_hbm.at[c, s, g + 4],
                                 ew_v.at[i4, pl.ds(0, _CH)], semi.at[i4])

            @plsc.parallel_loop(0, _CH, unroll=4)
            def _scale(r):
                w = ew_v[i0, pl.ds(r, 16)][0]
                for j in range(D // 16):
                    sl = pl.ds(16 * j, 16)
                    rows_v[a, r, sl] = rows_v[a, r, sl] * w

            pltpu.sync_copy(rows_v.at[a], acc.at[idx_v.at[i0, 1]], add=True)
            return carry

        lax.fori_loop(0, _NCHUNK, body, 0)
        plsc.subcore_barrier()

        pltpu.sync_copy(acc.at[pl.ds(nbase, _NPT)],
                        out_hbm.at[c, pl.ds(nbase, _NPT)])

        @pl.when(s == _TILES - 1)
        def _():
            pltpu.sync_copy(acc.at[pl.ds(_NPT * _TILES, _NREM)],
                            out_hbm.at[c, pl.ds(_NPT * _TILES, _NREM)])

    return k(edges, ew, seq2n)



def _score_body(raw_ref, bg_ref, al_ref, watt_ref, batt_ref, out_ref):
    i = pl.program_id(0)
    parts = []
    for m in range(2):
        x = raw_ref[m] + bg_ref[m]
        e = jnp.where(x > 0, x, al_ref[0, m] * x)
        t = jnp.tanh(jnp.dot(e, watt_ref[...].T,
                             preferred_element_type=jnp.float32) + batt_ref[...])
        parts.append(jnp.sum(t, axis=0, keepdims=True))
    p = jnp.concatenate(parts, axis=0)

    @pl.when(i == 0)
    def _():
        out_ref[...] = p

    @pl.when(i > 0)
    def _():
        out_ref[...] = out_ref[...] + p


def _score(raw, bg, al, W_att, b_att):
    return pl.pallas_call(
        _score_body,
        grid=(N // _ROWS,),
        in_specs=[
            pl.BlockSpec((2, _ROWS, D), lambda i: (0, i, 0)),
            pl.BlockSpec((2, D), lambda i: (0, 0)),
            pl.BlockSpec((1, 2), lambda i: (0, 0)),
            pl.BlockSpec((D, D), lambda i: (0, 0)),
            pl.BlockSpec((1, D), lambda i: (0, 0)),
        ],
        out_specs=pl.BlockSpec((2, D), lambda i: (0, 0)),
        out_shape=jax.ShapeDtypeStruct((2, D), jnp.float32),
    )(raw, bg, al, W_att, b_att)



def _combine_body(raw_ref, bg_ref, al_ref, sums_ref, av_ref, out_ref):
    s0 = jnp.sum(sums_ref[0] * av_ref[0]) / N
    s1 = jnp.sum(sums_ref[1] * av_ref[0]) / N
    m = jnp.maximum(s0, s1)
    e0 = jnp.exp(s0 - m)
    e1 = jnp.exp(s1 - m)
    b0 = e0 / (e0 + e1)
    b1 = e1 / (e0 + e1)
    x0 = raw_ref[0] + bg_ref[0]
    x1 = raw_ref[1] + bg_ref[1]
    p0 = jnp.where(x0 > 0, x0, al_ref[0, 0] * x0)
    p1 = jnp.where(x1 > 0, x1, al_ref[0, 1] * x1)
    out_ref[...] = b0 * p0 + b1 * p1


def _combine(raw, bg, al, sums, att_vec):
    return pl.pallas_call(
        _combine_body,
        grid=(N // _ROWS,),
        in_specs=[
            pl.BlockSpec((2, _ROWS, D), lambda i: (0, i, 0)),
            pl.BlockSpec((2, D), lambda i: (0, 0)),
            pl.BlockSpec((1, 2), lambda i: (0, 0)),
            pl.BlockSpec((2, D), lambda i: (0, 0)),
            pl.BlockSpec((1, D), lambda i: (0, 0)),
        ],
        out_specs=pl.BlockSpec((_ROWS, D), lambda i: (i, 0)),
        out_shape=jax.ShapeDtypeStruct((N, D), jnp.float32),
    )(raw, bg, al, sums, att_vec)



def kernel(feats0, edge_index0, edge_weight0, edge_index1, edge_weight1,
           W_fc, b_fc, W_g0, b_g0, a0, W_g1, b_g1, a1, W_att, b_att, att_vec):
    seq = _proj(feats0, W_fc, b_fc, W_g0, W_g1)
    seq2n = seq.reshape(2 * N, D)
    strip = (2, _TILES, _NCHUNK, _CH)
    src_adj = jnp.concatenate([edge_index0[1], edge_index1[1] + N]).reshape(strip)
    dst_all = jnp.concatenate([edge_index0[0], edge_index1[0]]).reshape(strip)
    edges = jnp.stack([src_adj, dst_all], axis=3)
    ew_all = jnp.concatenate([edge_weight0, edge_weight1]).reshape(strip)
    raw = _sc_edge_kernel(edges, ew_all, seq2n)

    bg = jnp.stack([b_g0, b_g1])
    al = jnp.stack([a0, a1]).reshape(1, 2)
    sums = _score(raw, bg, al, W_att, b_att.reshape(1, D))
    return _combine(raw, bg, al, sums, att_vec)

# --- scband reference (transcript-rebuilt; emitter-appended) ---
"""Pipeline reference for scband-student-my-he-co-1657857376668 (READ-ONLY COPY).

The authoritative reference and input builder live on the scoring server;
editing this copy changes nothing except your own understanding.
"""

import jax, jax.numpy as jnp
import numpy as np

N = 10000
E = 320000
D_IN = 512
D = 128  # student_dim = int(256 * 0.5)


def setup_inputs(seed: int = 0) -> dict:
    key = jax.random.key(seed)
    ks = jax.random.split(key, 20)
    inp = {}
    inp["feats0"] = jax.random.normal(ks[0], (N, D_IN), dtype=jnp.float32)
    inp["edge_index0"] = jax.random.randint(ks[1], (2, E), 0, N, dtype=jnp.int32)
    inp["edge_weight0"] = jax.random.uniform(ks[2], (E,), dtype=jnp.float32)
    inp["edge_index1"] = jax.random.randint(ks[3], (2, E), 0, N, dtype=jnp.int32)
    inp["edge_weight1"] = jax.random.uniform(ks[4], (E,), dtype=jnp.float32)
    # learned parameters
    inp["W_fc"] = jax.random.normal(ks[5], (D, D_IN), dtype=jnp.float32) * 0.05
    inp["b_fc"] = jnp.zeros((D,), dtype=jnp.float32)
    inp["W_g0"] = jax.random.normal(ks[6], (D, D), dtype=jnp.float32) * 0.1
    inp["b_g0"] = jnp.zeros((D,), dtype=jnp.float32)
    inp["a0"] = jnp.array(0.25, dtype=jnp.float32)  # PReLU alpha
    inp["W_g1"] = jax.random.normal(ks[7], (D, D), dtype=jnp.float32) * 0.1
    inp["b_g1"] = jnp.zeros((D,), dtype=jnp.float32)
    inp["a1"] = jnp.array(0.25, dtype=jnp.float32)
    inp["W_att"] = jax.random.normal(ks[8], (D, D), dtype=jnp.float32) * 0.1
    inp["b_att"] = jnp.zeros((D,), dtype=jnp.float32)
    inp["att_vec"] = jax.random.normal(ks[9], (1, D), dtype=jnp.float32) * 0.1
    return inp


def reference(feats0, edge_index0, edge_weight0, edge_index1, edge_weight1,
              W_fc, b_fc, W_g0, b_g0, a0, W_g1, b_g1, a1, W_att, b_att, att_vec):
    # fc_list projection + ELU (feat_drop=0 -> identity)
    h = jax.nn.elu(feats0 @ W_fc.T + b_fc)

    # GCN per metapath: sparse adj @ (h W^T) + bias, then PReLU
    def gcn(h_in, ei, ew, Wg, bg, alpha):
        seq_fts = h_in @ Wg.T                      # [N, D]
        gathered = jnp.take(seq_fts, ei[1], axis=0)  # gather src node feats [E, D]
        msg = gathered * ew[:, None]
        out = jax.ops.segment_sum(msg, ei[0], num_segments=N)  # scatter-add to dst
        out = out + bg
        return jnp.where(out > 0, out, alpha * out)  # PReLU

    e0 = gcn(h, edge_index0, edge_weight0, W_g0, b_g0, a0)
    e1 = gcn(h, edge_index1, edge_weight1, W_g1, b_g1, a1)

    # semantic attention over metapath embeddings (attn_drop=0 -> identity)
    def att_score(e):
        sp = jnp.tanh(e @ W_att.T + b_att).mean(axis=0)  # [D]
        return (att_vec @ sp[:, None]).reshape(())

    beta = jax.nn.softmax(jnp.stack([att_score(e0), att_score(e1)]))
    z_mp = e0 * beta[0] + e1 * beta[1]
    return z_mp

if __name__ == "__main__":
    import jax
    _d = setup_inputs()
    print(jax.jit(kernel)(*tuple(_d.values())))

</pallas_src>

<mosaic_0001>
#map = affine_map<(d0, d1) -> (0, 0, 0, 0, 0)>
#map1 = affine_map<(d0, d1) -> (0, 0, 0, 0)>
#map2 = affine_map<(d0, d1) -> (0, 0)>
#map3 = affine_map<(d0, d1) -> (0, 0, 0)>
module attributes {stable_mosaic.version = 14 : i64} {
  func.func @k(%arg0: i32, %arg1: i32, %arg2: memref<2x16x250x2x80xi32, #tpu.memory_space<hbm>>, %arg3: memref<2x16x250x80xf32, #tpu.memory_space<hbm>>, %arg4: memref<20000x128xf32, #tpu.memory_space<hbm>>, %arg5: memref<2x10000x128xf32, #tpu.memory_space<hbm>>, %arg6: memref<6x2x80xi32, #tpu.memory_space<vmem>>, %arg7: memref<6x96xf32, #tpu.memory_space<vmem>>, %arg8: memref<4x80x128xf32, #tpu.memory_space<vmem>>, %arg9: memref<10000x128xf32, #tpu.memory_space<vmem_shared>>, %arg10: memref<6x!tpu.dma_semaphore, #tpu.memory_space<semaphore_mem>>, %arg11: memref<4x!tpu.dma_semaphore, #tpu.memory_space<semaphore_mem>>) attributes {dimension_semantics = [#tpu.dimension_semantics<core_parallel>, #tpu.dimension_semantics<subcore_parallel>], iteration_bounds = array<i64: 2, 16>, scalar_prefetch = 0 : i64, scratch_operands = 6 : i64, tpu.core_type = #tpu.core_type<sc_vector_subcore>, window_params = [{transform_indices = #map}, {transform_indices = #map1}, {transform_indices = #map2}, {transform_indices = #map3}]} {
    %scan3A = arith.constant 0 : i32
    %scan3A_0 = arith.constant 0 : i32
    %scan3A_1 = arith.constant 80 : i32
    %scan3A_2 = arith.addi %scan3A_0, %scan3A_1 : i32
    %scan3A_3 = arith.constant 1 : i32
    scf.for %scan3A_282 = %scan3A_0 to %scan3A_2 step %scan3A_3  : i32 {
      %broadcast_in_dim3A = arith.constant 0.000000e+00 : f32
      %broadcast_in_dim3A_283 = vector.broadcast %broadcast_in_dim3A : f32 to vector<16xf32>
      %swap3A = arith.constant 0 : i32
      %swap3A_284 = arith.index_cast %swap3A : i32 to index
      %swap3A_285 = arith.index_cast %scan3A_282 : i32 to index
      %swap3A_286 = arith.constant 0 : index
      %swap3A_287 = tpu.vector_load %arg8[%swap3A_284, %swap3A_285, %swap3A_286] {strides = array<i32>} : memref<4x80x128xf32, #tpu.memory_space<vmem>>, vector<1x1x16xf32>,
      %swap3A_288 = vector.shape_cast %swap3A_287 : vector<1x1x16xf32> to vector<16xf32>
      %swap3A_289 = vector.shape_cast %broadcast_in_dim3A_283 : vector<16xf32> to vector<1x1x16xf32>
      tpu.vector_store %arg8[%swap3A_284, %swap3A_285, %swap3A_286], %swap3A_289 {strides = array<i32>} : memref<4x80x128xf32, #tpu.memory_space<vmem>>, vector<1x1x16xf32>,
      %broadcast_in_dim3A_290 = arith.constant 0.000000e+00 : f32
      %broadcast_in_dim3A_291 = vector.broadcast %broadcast_in_dim3A_290 : f32 to vector<16xf32>
      %swap3A_292 = arith.constant 0 : i32
      %swap3A_293 = arith.index_cast %swap3A_292 : i32 to index
      %swap3A_294 = arith.index_cast %scan3A_282 : i32 to index
      %swap3A_295 = arith.constant 16 : index
      %swap3A_296 = tpu.vector_load %arg8[%swap3A_293, %swap3A_294, %swap3A_295] {strides = array<i32>} : memref<4x80x128xf32, #tpu.memory_space<vmem>>, vector<1x1x16xf32>,
      %swap3A_297 = vector.shape_cast %swap3A_296 : vector<1x1x16xf32> to vector<16xf32>
      %swap3A_298 = vector.shape_cast %broadcast_in_dim3A_291 : vector<16xf32> to vector<1x1x16xf32>
      tpu.vector_store %arg8[%swap3A_293, %swap3A_294, %swap3A_295], %swap3A_298 {strides = array<i32>} : memref<4x80x128xf32, #tpu.memory_space<vmem>>, vector<1x1x16xf32>,
      %broadcast_in_dim3A_299 = arith.constant 0.000000e+00 : f32
      %broadcast_in_dim3A_300 = vector.broadcast %broadcast_in_dim3A_299 : f32 to vector<16xf32>
      %swap3A_301 = arith.constant 0 : i32
      %swap3A_302 = arith.index_cast %swap3A_301 : i32 to index
      %swap3A_303 = arith.index_cast %scan3A_282 : i32 to index
      %swap3A_304 = arith.constant 32 : index
      %swap3A_305 = tpu.vector_load %arg8[%swap3A_302, %swap3A_303, %swap3A_304] {strides = array<i32>} : memref<4x80x128xf32, #tpu.memory_space<vmem>>, vector<1x1x16xf32>,
      %swap3A_306 = vector.shape_cast %swap3A_305 : vector<1x1x16xf32> to vector<16xf32>
      %swap3A_307 = vector.shape_cast %broadcast_in_dim3A_300 : vector<16xf32> to vector<1x1x16xf32>
      tpu.vector_store %arg8[%swap3A_302, %swap3A_303, %swap3A_304], %swap3A_307 {strides = array<i32>} : memref<4x80x128xf32, #tpu.memory_space<vmem>>, vector<1x1x16xf32>,
      %broadcast_in_dim3A_308 = arith.constant 0.000000e+00 : f32
      %broadcast_in_dim3A_309 = vector.broadcast %broadcast_in_dim3A_308 : f32 to vector<16xf32>
      %swap3A_310 = arith.constant 0 : i32
      %swap3A_311 = arith.index_cast %swap3A_310 : i32 to index
      %swap3A_312 = arith.index_cast %scan3A_282 : i32 to index
      %swap3A_313 = arith.constant 48 : index
      %swap3A_314 = tpu.vector_load %arg8[%swap3A_311, %swap3A_312, %swap3A_313] {strides = array<i32>} : memref<4x80x128xf32, #tpu.memory_space<vmem>>, vector<1x1x16xf32>,
      %swap3A_315 = vector.shape_cast %swap3A_314 : vector<1x1x16xf32> to vector<16xf32>
      %swap3A_316 = vector.shape_cast %broadcast_in_dim3A_309 : vector<16xf32> to vector<1x1x16xf32>
      tpu.vector_store %arg8[%swap3A_311, %swap3A_312, %swap3A_313], %swap3A_316 {strides = array<i32>} : memref<4x80x128xf32, #tpu.memory_space<vmem>>, vector<1x1x16xf32>,
      %broadcast_in_dim3A_317 = arith.constant 0.000000e+00 : f32
      %broadcast_in_dim3A_318 = vector.broadcast %broadcast_in_dim3A_317 : f32 to vector<16xf32>
      %swap3A_319 = arith.constant 0 : i32
      %swap3A_320 = arith.index_cast %swap3A_319 : i32 to index
      %swap3A_321 = arith.index_cast %scan3A_282 : i32 to index
      %swap3A_322 = arith.constant 64 : index
      %swap3A_323 = tpu.vector_load %arg8[%swap3A_320, %swap3A_321, %swap3A_322] {strides = array<i32>} : memref<4x80x128xf32, #tpu.memory_space<vmem>>, vector<1x1x16xf32>,
      %swap3A_324 = vector.shape_cast %swap3A_323 : vector<1x1x16xf32> to vector<16xf32>
      %swap3A_325 = vector.shape_cast %broadcast_in_dim3A_318 : vector<16xf32> to vector<1x1x16xf32>
      tpu.vector_store %arg8[%swap3A_320, %swap3A_321, %swap3A_322], %swap3A_325 {strides = array<i32>} : memref<4x80x128xf32, #tpu.memory_space<vmem>>, vector<1x1x16xf32>,
      %broadcast_in_dim3A_326 = arith.constant 0.000000e+00 : f32
      %broadcast_in_dim3A_327 = vector.broadcast %broadcast_in_dim3A_326 : f32 to vector<16xf32>
      %swap3A_328 = arith.constant 0 : i32
      %swap3A_329 = arith.index_cast %swap3A_328 : i32 to index
      %swap3A_330 = arith.index_cast %scan3A_282 : i32 to index
      %swap3A_331 = arith.constant 80 : index
      %swap3A_332 = tpu.vector_load %arg8[%swap3A_329, %swap3A_330, %swap3A_331] {strides = array<i32>} : memref<4x80x128xf32, #tpu.memory_space<vmem>>, vector<1x1x16xf32>,
      %swap3A_333 = vector.shape_cast %swap3A_332 : vector<1x1x16xf32> to vector<16xf32>
      %swap3A_334 = vector.shape_cast %broadcast_in_dim3A_327 : vector<16xf32> to vector<1x1x16xf32>
      tpu.vector_store %arg8[%swap3A_329, %swap3A_330, %swap3A_331], %swap3A_334 {strides = array<i32>} : memref<4x80x128xf32, #tpu.memory_space<vmem>>, vector<1x1x16xf32>,
      %broadcast_in_dim3A_335 = arith.constant 0.000000e+00 : f32
      %broadcast_in_dim3A_336 = vector.broadcast %broadcast_in_dim3A_335 : f32 to vector<16xf32>
      %swap3A_337 = arith.constant 0 : i32
      %swap3A_338 = arith.index_cast %swap3A_337 : i32 to index
      %swap3A_339 = arith.index_cast %scan3A_282 : i32 to index
      %swap3A_340 = arith.constant 96 : index
      %swap3A_341 = tpu.vector_load %arg8[%swap3A_338, %swap3A_339, %swap3A_340] {strides = array<i32>} : memref<4x80x128xf32, #tpu.memory_space<vmem>>, vector<1x1x16xf32>,
      %swap3A_342 = vector.shape_cast %swap3A_341 : vector<1x1x16xf32> to vector<16xf32>
      %swap3A_343 = vector.shape_cast %broadcast_in_dim3A_336 : vector<16xf32> to vector<1x1x16xf32>
      tpu.vector_store %arg8[%swap3A_338, %swap3A_339, %swap3A_340], %swap3A_343 {strides = array<i32>} : memref<4x80x128xf32, #tpu.memory_space<vmem>>, vector<1x1x16xf32>,
      %broadcast_in_dim3A_344 = arith.constant 0.000000e+00 : f32
      %broadcast_in_dim3A_345 = vector.broadcast %broadcast_in_dim3A_344 : f32 to vector<16xf32>
      %swap3A_346 = arith.constant 0 : i32
      %swap3A_347 = arith.index_cast %swap3A_346 : i32 to index
      %swap3A_348 = arith.index_cast %scan3A_282 : i32 to index
      %swap3A_349 = arith.constant 112 : index
      %swap3A_350 = tpu.vector_load %arg8[%swap3A_347, %swap3A_348, %swap3A_349] {strides = array<i32>} : memref<4x80x128xf32, #tpu.memory_space<vmem>>, vector<1x1x16xf32>,
      %swap3A_351 = vector.shape_cast %swap3A_350 : vector<1x1x16xf32> to vector<16xf32>
      %swap3A_352 = vector.shape_cast %broadcast_in_dim3A_345 : vector<16xf32> to vector<1x1x16xf32>
      tpu.vector_store %arg8[%swap3A_347, %swap3A_348, %swap3A_349], %swap3A_352 {strides = array<i32>} : memref<4x80x128xf32, #tpu.memory_space<vmem>>, vector<1x1x16xf32>,
    }
    %scan3A_4 = arith.constant 80 : i32
    %mul3A = arith.constant 624 : i32
    %mul3A_5 = arith.muli %arg1, %mul3A : i32
    %add3A = arith.constant 0 : i32
    %add3A_6 = arith.addi %mul3A_5, %add3A : i32
    %run_scoped3A = arith.constant 0 : i32
    "tpu.region"() ({
      %run_scoped3A_282 = tpu.sem_alloc : memref<!tpu.dma_semaphore, #tpu.memory_space<semaphore_mem>>
      %dma_start3A_283 = arith.constant 0 : i32
      %dma_start3A_284 = arith.constant 0 : i32
      %dma_start3A_285 = tpu.memref_slice %arg8[%run_scoped3A, %dma_start3A_283, %dma_start3A_284] : memref<4x80x128xf32, #tpu.memory_space<vmem>> -> memref<1x80x128xf32, #tpu.memory_space<vmem>>
      %dma_start3A_286 = tpu.memref_squeeze %dma_start3A_285 : memref<1x80x128xf32, #tpu.memory_space<vmem>> -> memref<80x128xf32, #tpu.memory_space<vmem>>
      %dma_start3A_287 = arith.constant 0 : i32
      %dma_start3A_288 = tpu.memref_slice %arg9[%add3A_6, %dma_start3A_287] : memref<10000x128xf32, #tpu.memory_space<vmem_shared>> -> memref<80x128xf32, #tpu.memory_space<vmem_shared>>
      %dma_start3A_289 = arith.constant 0 : i32
      %dma_start3A_290 = tpu.memref_slice %arg9[%add3A_6, %dma_start3A_289] : memref<10000x128xf32, #tpu.memory_space<vmem_shared>> -> memref<80x128xf32, #tpu.memory_space<vmem_shared>>
      %dma_start3A_291 = arith.constant 0 : i32
      %dma_start3A_292 = arith.constant 0 : i32
      %dma_start3A_293 = tpu.memref_slice %arg8[%run_scoped3A, %dma_start3A_291, %dma_start3A_292] : memref<4x80x128xf32, #tpu.memory_space<vmem>> -> memref<1x80x128xf32, #tpu.memory_space<vmem>>
      %dma_start3A_294 = tpu.memref_squeeze %dma_start3A_293 : memref<1x80x128xf32, #tpu.memory_space<vmem>> -> memref<80x128xf32, #tpu.memory_space<vmem>>
      tpu.enqueue_dma source(%dma_start3A_294 : memref<80x128xf32, #tpu.memory_space<vmem>>) target(%dma_start3A_290 : memref<80x128xf32, #tpu.memory_space<vmem_shared>>) target_semaphore(%run_scoped3A_282 : memref<!tpu.dma_semaphore, #tpu.memory_space<semaphore_mem>>)
      %dma_wait3A_295 = arith.constant 0 : i32
      %dma_wait3A_296 = arith.constant 0 : i32
      %dma_wait3A_297 = tpu.memref_slice %arg8[%run_scoped3A, %dma_wait3A_295, %dma_wait3A_296] : memref<4x80x128xf32, #tpu.memory_space<vmem>> -> memref<1x80x128xf32, #tpu.memory_space<vmem>>
      %dma_wait3A_298 = tpu.memref_squeeze %dma_wait3A_297 : memref<1x80x128xf32, #tpu.memory_space<vmem>> -> memref<80x128xf32, #tpu.memory_space<vmem>>
      %dma_wait3A_299 = arith.constant 0 : i32
      %dma_wait3A_300 = tpu.memref_slice %arg9[%add3A_6, %dma_wait3A_299] : memref<10000x128xf32, #tpu.memory_space<vmem_shared>> -> memref<80x128xf32, #tpu.memory_space<vmem_shared>>
      %dma_wait3A_301 = arith.constant 0 : i32
      %dma_wait3A_302 = tpu.memref_slice %arg9[%add3A_6, %dma_wait3A_301] : memref<10000x128xf32, #tpu.memory_space<vmem_shared>> -> memref<80x128xf32, #tpu.memory_space<vmem_shared>>
      %dma_wait3A_303 = arith.constant 0 : i32
      %dma_wait3A_304 = arith.constant 0 : i32
      %dma_wait3A_305 = tpu.memref_slice %arg8[%run_scoped3A, %dma_wait3A_303, %dma_wait3A_304] : memref<4x80x128xf32, #tpu.memory_space<vmem>> -> memref<1x80x128xf32, #tpu.memory_space<vmem>>
      %dma_wait3A_306 = tpu.memref_squeeze %dma_wait3A_305 : memref<1x80x128xf32, #tpu.memory_space<vmem>> -> memref<80x128xf32, #tpu.memory_space<vmem>>
      tpu.wait_dma2 semaphore(%run_scoped3A_282 : memref<!tpu.dma_semaphore, #tpu.memory_space<semaphore_mem>>) src(%dma_wait3A_306 : memref<80x128xf32, #tpu.memory_space<vmem>>) dst(%dma_wait3A_302 : memref<80x128xf32, #tpu.memory_space<vmem_shared>>)
      tpu.yield
    }) : () -> ()
    %add3A_7 = arith.constant 80 : i32
    %add3A_8 = arith.addi %mul3A_5, %add3A_7 : i32
    %run_scoped3A_9 = arith.constant 0 : i32
    "tpu.region"() ({
      %run_scoped3A_282 = tpu.sem_alloc : memref<!tpu.dma_semaphore, #tpu.memory_space<semaphore_mem>>
      %dma_start3A_283 = arith.constant 0 : i32
      %dma_start3A_284 = arith.constant 0 : i32
      %dma_start3A_285 = tpu.memref_slice %arg8[%run_scoped3A_9, %dma_start3A_283, %dma_start3A_284] : memref<4x80x128xf32, #tpu.memory_space<vmem>> -> memref<1x80x128xf32, #tpu.memory_space<vmem>>
      %dma_start3A_286 = tpu.memref_squeeze %dma_start3A_285 : memref<1x80x128xf32, #tpu.memory_space<vmem>> -> memref<80x128xf32, #tpu.memory_space<vmem>>
      %dma_start3A_287 = arith.constant 0 : i32
      %dma_start3A_288 = tpu.memref_slice %arg9[%add3A_8, %dma_start3A_287] : memref<10000x128xf32, #tpu.memory_space<vmem_shared>> -> memref<80x128xf32, #tpu.memory_space<vmem_shared>>
      %dma_start3A_289 = arith.constant 0 : i32
      %dma_start3A_290 = tpu.memref_slice %arg9[%add3A_8, %dma_start3A_289] : memref<10000x128xf32, #tpu.memory_space<vmem_shared>> -> memref<80x128xf32, #tpu.memory_space<vmem_shared>>
      %dma_start3A_291 = arith.constant 0 : i32
      %dma_start3A_292 = arith.constant 0 : i32
      %dma_start3A_293 = tpu.memref_slice %arg8[%run_scoped3A_9, %dma_start3A_291, %dma_start3A_292] : memref<4x80x128xf32, #tpu.memory_space<vmem>> -> memref<1x80x128xf32, #tpu.memory_space<vmem>>
      %dma_start3A_294 = tpu.memref_squeeze %dma_start3A_293 : memref<1x80x128xf32, #tpu.memory_space<vmem>> -> memref<80x128xf32, #tpu.memory_space<vmem>>
      tpu.enqueue_dma source(%dma_start3A_294 : memref<80x128xf32, #tpu.memory_space<vmem>>) target(%dma_start3A_290 : memref<80x128xf32, #tpu.memory_space<vmem_shared>>) target_semaphore(%run_scoped3A_282 : memref<!tpu.dma_semaphore, #tpu.memory_space<semaphore_mem>>)
      %dma_wait3A_295 = arith.constant 0 : i32
      %dma_wait3A_296 = arith.constant 0 : i32
      %dma_wait3A_297 = tpu.memref_slice %arg8[%run_scoped3A_9, %dma_wait3A_295, %dma_wait3A_296] : memref<4x80x128xf32, #tpu.memory_space<vmem>> -> memref<1x80x128xf32, #tpu.memory_space<vmem>>
      %dma_wait3A_298 = tpu.memref_squeeze %dma_wait3A_297 : memref<1x80x128xf32, #tpu.memory_space<vmem>> -> memref<80x128xf32, #tpu.memory_space<vmem>>
      %dma_wait3A_299 = arith.constant 0 : i32
      %dma_wait3A_300 = tpu.memref_slice %arg9[%add3A_8, %dma_wait3A_299] : memref<10000x128xf32, #tpu.memory_space<vmem_shared>> -> memref<80x128xf32, #tpu.memory_space<vmem_shared>>
      %dma_wait3A_301 = arith.constant 0 : i32
      %dma_wait3A_302 = tpu.memref_slice %arg9[%add3A_8, %dma_wait3A_301] : memref<10000x128xf32, #tpu.memory_space<vmem_shared>> -> memref<80x128xf32, #tpu.memory_space<vmem_shared>>
      %dma_wait3A_303 = arith.constant 0 : i32
      %dma_wait3A_304 = arith.constant 0 : i32
      %dma_wait3A_305 = tpu.memref_slice %arg8[%run_scoped3A_9, %dma_wait3A_303, %dma_wait3A_304] : memref<4x80x128xf32, #tpu.memory_space<vmem>> -> memref<1x80x128xf32, #tpu.memory_space<vmem>>
      %dma_wait3A_306 = tpu.memref_squeeze %dma_wait3A_305 : memref<1x80x128xf32, #tpu.memory_space<vmem>> -> memref<80x128xf32, #tpu.memory_space<vmem>>
      tpu.wait_dma2 semaphore(%run_scoped3A_282 : memref<!tpu.dma_semaphore, #tpu.memory_space<semaphore_mem>>) src(%dma_wait3A_306 : memref<80x128xf32, #tpu.memory_space<vmem>>) dst(%dma_wait3A_302 : memref<80x128xf32, #tpu.memory_space<vmem_shared>>)
      tpu.yield
    }) : () -> ()
    %add3A_10 = arith.constant 160 : i32
    %add3A_11 = arith.addi %mul3A_5, %add3A_10 : i32
    %run_scoped3A_12 = arith.constant 0 : i32
    "tpu.region"() ({
      %run_scoped3A_282 = tpu.sem_alloc : memref<!tpu.dma_semaphore, #tpu.memory_space<semaphore_mem>>
      %dma_start3A_283 = arith.constant 0 : i32
      %dma_start3A_284 = arith.constant 0 : i32
      %dma_start3A_285 = tpu.memref_slice %arg8[%run_scoped3A_12, %dma_start3A_283, %dma_start3A_284] : memref<4x80x128xf32, #tpu.memory_space<vmem>> -> memref<1x80x128xf32, #tpu.memory_space<vmem>>
      %dma_start3A_286 = tpu.memref_squeeze %dma_start3A_285 : memref<1x80x128xf32, #tpu.memory_space<vmem>> -> memref<80x128xf32, #tpu.memory_space<vmem>>
      %dma_start3A_287 = arith.constant 0 : i32
      %dma_start3A_288 = tpu.memref_slice %arg9[%add3A_11, %dma_start3A_287] : memref<10000x128xf32, #tpu.memory_space<vmem_shared>> -> memref<80x128xf32, #tpu.memory_space<vmem_shared>>
      %dma_start3A_289 = arith.constant 0 : i32
      %dma_start3A_290 = tpu.memref_slice %arg9[%add3A_11, %dma_start3A_289] : memref<10000x128xf32, #tpu.memory_space<vmem_shared>> -> memref<80x128xf32, #tpu.memory_space<vmem_shared>>
      %dma_start3A_291 = arith.constant 0 : i32
      %dma_start3A_292 = arith.constant 0 : i32
      %dma_start3A_293 = tpu.memref_slice %arg8[%run_scoped3A_12, %dma_start3A_291, %dma_start3A_292] : memref<4x80x128xf32, #tpu.memory_space<vmem>> -> memref<1x80x128xf32, #tpu.memory_space<vmem>>
      %dma_start3A_294 = tpu.memref_squeeze %dma_start3A_293 : memref<1x80x128xf32, #tpu.memory_space<vmem>> -> memref<80x128xf32, #tpu.memory_space<vmem>>
      tpu.enqueue_dma source(%dma_start3A_294 : memref<80x128xf32, #tpu.memory_space<vmem>>) target(%dma_start3A_290 : memref<80x128xf32, #tpu.memory_space<vmem_shared>>) target_semaphore(%run_scoped3A_282 : memref<!tpu.dma_semaphore, #tpu.memory_space<semaphore_mem>>)
      %dma_wait3A_295 = arith.constant 0 : i32
      %dma_wait3A_296 = arith.constant 0 : i32
      %dma_wait3A_297 = tpu.memref_slice %arg8[%run_scoped3A_12, %dma_wait3A_295, %dma_wait3A_296] : memref<4x80x128xf32, #tpu.memory_space<vmem>> -> memref<1x80x128xf32, #tpu.memory_space<vmem>>
      %dma_wait3A_298 = tpu.memref_squeeze %dma_wait3A_297 : memref<1x80x128xf32, #tpu.memory_space<vmem>> -> memref<80x128xf32, #tpu.memory_space<vmem>>
      %dma_wait3A_299 = arith.constant 0 : i32
      %dma_wait3A_300 = tpu.memref_slice %arg9[%add3A_11, %dma_wait3A_299] : memref<10000x128xf32, #tpu.memory_space<vmem_shared>> -> memref<80x128xf32, #tpu.memory_space<vmem_shared>>
      %dma_wait3A_301 = arith.constant 0 : i32
      %dma_wait3A_302 = tpu.memref_slice %arg9[%add3A_11, %dma_wait3A_301] : memref<10000x128xf32, #tpu.memory_space<vmem_shared>> -> memref<80x128xf32, #tpu.memory_space<vmem_shared>>
      %dma_wait3A_303 = arith.constant 0 : i32
      %dma_wait3A_304 = arith.constant 0 : i32
      %dma_wait3A_305 = tpu.memref_slice %arg8[%run_scoped3A_12, %dma_wait3A_303, %dma_wait3A_304] : memref<4x80x128xf32, #tpu.memory_space<vmem>> -> memref<1x80x128xf32, #tpu.memory_space<vmem>>
      %dma_wait3A_306 = tpu.memref_squeeze %dma_wait3A_305 : memref<1x80x128xf32, #tpu.memory_space<vmem>> -> memref<80x128xf32, #tpu.memory_space<vmem>>
      tpu.wait_dma2 semaphore(%run_scoped3A_282 : memref<!tpu.dma_semaphore, #tpu.memory_space<semaphore_mem>>) src(%dma_wait3A_306 : memref<80x128xf32, #tpu.memory_space<vmem>>) dst(%dma_wait3A_302 : memref<80x128xf32, #tpu.memory_space<vmem_shared>>)
      tpu.yield
    }) : () -> ()
    %add3A_13 = arith.constant 240 : i32
    %add3A_14 = arith.addi %mul3A_5, %add3A_13 : i32
    %run_scoped3A_15 = arith.constant 0 : i32
    "tpu.region"() ({
      %run_scoped3A_282 = tpu.sem_alloc : memref<!tpu.dma_semaphore, #tpu.memory_space<semaphore_mem>>
      %dma_start3A_283 = arith.constant 0 : i32
      %dma_start3A_284 = arith.constant 0 : i32
      %dma_start3A_285 = tpu.memref_slice %arg8[%run_scoped3A_15, %dma_start3A_283, %dma_start3A_284] : memref<4x80x128xf32, #tpu.memory_space<vmem>> -> memref<1x80x128xf32, #tpu.memory_space<vmem>>
      %dma_start3A_286 = tpu.memref_squeeze %dma_start3A_285 : memref<1x80x128xf32, #tpu.memory_space<vmem>> -> memref<80x128xf32, #tpu.memory_space<vmem>>
      %dma_start3A_287 = arith.constant 0 : i32
      %dma_start3A_288 = tpu.memref_slice %arg9[%add3A_14, %dma_start3A_287] : memref<10000x128xf32, #tpu.memory_space<vmem_shared>> -> memref<80x128xf32, #tpu.memory_space<vmem_shared>>
      %dma_start3A_289 = arith.constant 0 : i32
      %dma_start3A_290 = tpu.memref_slice %arg9[%add3A_14, %dma_start3A_289] : memref<10000x128xf32, #tpu.memory_space<vmem_shared>> -> memref<80x128xf32, #tpu.memory_space<vmem_shared>>
      %dma_start3A_291 = arith.constant 0 : i32
      %dma_start3A_292 = arith.constant 0 : i32
      %dma_start3A_293 = tpu.memref_slice %arg8[%run_scoped3A_15, %dma_start3A_291, %dma_start3A_292] : memref<4x80x128xf32, #tpu.memory_space<vmem>> -> memref<1x80x128xf32, #tpu.memory_space<vmem>>
      %dma_start3A_294 = tpu.memref_squeeze %dma_start3A_293 : memref<1x80x128xf32, #tpu.memory_space<vmem>> -> memref<80x128xf32, #tpu.memory_space<vmem>>
      tpu.enqueue_dma source(%dma_start3A_294 : memref<80x128xf32, #tpu.memory_space<vmem>>) target(%dma_start3A_290 : memref<80x128xf32, #tpu.memory_space<vmem_shared>>) target_semaphore(%run_scoped3A_282 : memref<!tpu.dma_semaphore, #tpu.memory_space<semaphore_mem>>)
      %dma_wait3A_295 = arith.constant 0 : i32
      %dma_wait3A_296 = arith.constant 0 : i32
      %dma_wait3A_297 = tpu.memref_slice %arg8[%run_scoped3A_15, %dma_wait3A_295, %dma_wait3A_296] : memref<4x80x128xf32, #tpu.memory_space<vmem>> -> memref<1x80x128xf32, #tpu.memory_space<vmem>>
      %dma_wait3A_298 = tpu.memref_squeeze %dma_wait3A_297 : memref<1x80x128xf32, #tpu.memory_space<vmem>> -> memref<80x128xf32, #tpu.memory_space<vmem>>
      %dma_wait3A_299 = arith.constant 0 : i32
      %dma_wait3A_300 = tpu.memref_slice %arg9[%add3A_14, %dma_wait3A_299] : memref<10000x128xf32, #tpu.memory_space<vmem_shared>> -> memref<80x128xf32, #tpu.memory_space<vmem_shared>>
      %dma_wait3A_301 = arith.constant 0 : i32
      %dma_wait3A_302 = tpu.memref_slice %arg9[%add3A_14, %dma_wait3A_301] : memref<10000x128xf32, #tpu.memory_space<vmem_shared>> -> memref<80x128xf32, #tpu.memory_space<vmem_shared>>
      %dma_wait3A_303 = arith.constant 0 : i32
      %dma_wait3A_304 = arith.constant 0 : i32
      %dma_wait3A_305 = tpu.memref_slice %arg8[%run_scoped3A_15, %dma_wait3A_303, %dma_wait3A_304] : memref<4x80x128xf32, #tpu.memory_space<vmem>> -> memref<1x80x128xf32, #tpu.memory_space<vmem>>
      %dma_wait3A_306 = tpu.memref_squeeze %dma_wait3A_305 : memref<1x80x128xf32, #tpu.memory_space<vmem>> -> memref<80x128xf32, #tpu.memory_space<vmem>>
      tpu.wait_dma2 semaphore(%run_scoped3A_282 : memref<!tpu.dma_semaphore, #tpu.memory_space<semaphore_mem>>) src(%dma_wait3A_306 : memref<80x128xf32, #tpu.memory_space<vmem>>) dst(%dma_wait3A_302 : memref<80x128xf32, #tpu.memory_space<vmem_shared>>)
      tpu.yield
    }) : () -> ()
    %add3A_16 = arith.constant 320 : i32
    %add3A_17 = arith.addi %mul3A_5, %add3A_16 : i32
    %run_scoped3A_18 = arith.constant 0 : i32
    "tpu.region"() ({
      %run_scoped3A_282 = tpu.sem_alloc : memref<!tpu.dma_semaphore, #tpu.memory_space<semaphore_mem>>
      %dma_start3A_283 = arith.constant 0 : i32
      %dma_start3A_284 = arith.constant 0 : i32
      %dma_start3A_285 = tpu.memref_slice %arg8[%run_scoped3A_18, %dma_start3A_283, %dma_start3A_284] : memref<4x80x128xf32, #tpu.memory_space<vmem>> -> memref<1x80x128xf32, #tpu.memory_space<vmem>>
      %dma_start3A_286 = tpu.memref_squeeze %dma_start3A_285 : memref<1x80x128xf32, #tpu.memory_space<vmem>> -> memref<80x128xf32, #tpu.memory_space<vmem>>
      %dma_start3A_287 = arith.constant 0 : i32
      %dma_start3A_288 = tpu.memref_slice %arg9[%add3A_17, %dma_start3A_287] : memref<10000x128xf32, #tpu.memory_space<vmem_shared>> -> memref<80x128xf32, #tpu.memory_space<vmem_shared>>
      %dma_start3A_289 = arith.constant 0 : i32
      %dma_start3A_290 = tpu.memref_slice %arg9[%add3A_17, %dma_start3A_289] : memref<10000x128xf32, #tpu.memory_space<vmem_shared>> -> memref<80x128xf32, #tpu.memory_space<vmem_shared>>
      %dma_start3A_291 = arith.constant 0 : i32
      %dma_start3A_292 = arith.constant 0 : i32
      %dma_start3A_293 = tpu.memref_slice %arg8[%run_scoped3A_18, %dma_start3A_291, %dma_start3A_292] : memref<4x80x128xf32, #tpu.memory_space<vmem>> -> memref<1x80x128xf32, #tpu.memory_space<vmem>>
      %dma_start3A_294 = tpu.memref_squeeze %dma_start3A_293 : memref<1x80x128xf32, #tpu.memory_space<vmem>> -> memref<80x128xf32, #tpu.memory_space<vmem>>
      tpu.enqueue_dma source(%dma_start3A_294 : memref<80x128xf32, #tpu.memory_space<vmem>>) target(%dma_start3A_290 : memref<80x128xf32, #tpu.memory_space<vmem_shared>>) target_semaphore(%run_scoped3A_282 : memref<!tpu.dma_semaphore, #tpu.memory_space<semaphore_mem>>)
      %dma_wait3A_295 = arith.constant 0 : i32
      %dma_wait3A_296 = arith.constant 0 : i32
      %dma_wait3A_297 = tpu.memref_slice %arg8[%run_scoped3A_18, %dma_wait3A_295, %dma_wait3A_296] : memref<4x80x128xf32, #tpu.memory_space<vmem>> -> memref<1x80x128xf32, #tpu.memory_space<vmem>>
      %dma_wait3A_298 = tpu.memref_squeeze %dma_wait3A_297 : memref<1x80x128xf32, #tpu.memory_space<vmem>> -> memref<80x128xf32, #tpu.memory_space<vmem>>
      %dma_wait3A_299 = arith.constant 0 : i32
      %dma_wait3A_300 = tpu.memref_slice %arg9[%add3A_17, %dma_wait3A_299] : memref<10000x128xf32, #tpu.memory_space<vmem_shared>> -> memref<80x128xf32, #tpu.memory_space<vmem_shared>>
      %dma_wait3A_301 = arith.constant 0 : i32
      %dma_wait3A_302 = tpu.memref_slice %arg9[%add3A_17, %dma_wait3A_301] : memref<10000x128xf32, #tpu.memory_space<vmem_shared>> -> memref<80x128xf32, #tpu.memory_space<vmem_shared>>
      %dma_wait3A_303 = arith.constant 0 : i32
      %dma_wait3A_304 = arith.constant 0 : i32
      %dma_wait3A_305 = tpu.memref_slice %arg8[%run_scoped3A_18, %dma_wait3A_303, %dma_wait3A_304] : memref<4x80x128xf32, #tpu.memory_space<vmem>> -> memref<1x80x128xf32, #tpu.memory_space<vmem>>
      %dma_wait3A_306 = tpu.memref_squeeze %dma_wait3A_305 : memref<1x80x128xf32, #tpu.memory_space<vmem>> -> memref<80x128xf32, #tpu.memory_space<vmem>>
      tpu.wait_dma2 semaphore(%run_scoped3A_282 : memref<!tpu.dma_semaphore, #tpu.memory_space<semaphore_mem>>) src(%dma_wait3A_306 : memref<80x128xf32, #tpu.memory_space<vmem>>) dst(%dma_wait3A_302 : memref<80x128xf32, #tpu.memory_space<vmem_shared>>)
      tpu.yield
    }) : () -> ()
    %add3A_19 = arith.constant 400 : i32
    %add3A_20 = arith.addi %mul3A_5, %add3A_19 : i32
    %run_scoped3A_21 = arith.constant 0 : i32
    "tpu.region"() ({
      %run_scoped3A_282 = tpu.sem_alloc : memref<!tpu.dma_semaphore, #tpu.memory_space<semaphore_mem>>
      %dma_start3A_283 = arith.constant 0 : i32
      %dma_start3A_284 = arith.constant 0 : i32
      %dma_start3A_285 = tpu.memref_slice %arg8[%run_scoped3A_21, %dma_start3A_283, %dma_start3A_284] : memref<4x80x128xf32, #tpu.memory_space<vmem>> -> memref<1x80x128xf32, #tpu.memory_space<vmem>>
      %dma_start3A_286 = tpu.memref_squeeze %dma_start3A_285 : memref<1x80x128xf32, #tpu.memory_space<vmem>> -> memref<80x128xf32, #tpu.memory_space<vmem>>
      %dma_start3A_287 = arith.constant 0 : i32
      %dma_start3A_288 = tpu.memref_slice %arg9[%add3A_20, %dma_start3A_287] : memref<10000x128xf32, #tpu.memory_space<vmem_shared>> -> memref<80x128xf32, #tpu.memory_space<vmem_shared>>
      %dma_start3A_289 = arith.constant 0 : i32
      %dma_start3A_290 = tpu.memref_slice %arg9[%add3A_20, %dma_start3A_289] : memref<10000x128xf32, #tpu.memory_space<vmem_shared>> -> memref<80x128xf32, #tpu.memory_space<vmem_shared>>
      %dma_start3A_291 = arith.constant 0 : i32
      %dma_start3A_292 = arith.constant 0 : i32
      %dma_start3A_293 = tpu.memref_slice %arg8[%run_scoped3A_21, %dma_start3A_291, %dma_start3A_292] : memref<4x80x128xf32, #tpu.memory_space<vmem>> -> memref<1x80x128xf32, #tpu.memory_space<vmem>>
      %dma_start3A_294 = tpu.memref_squeeze %dma_start3A_293 : memref<1x80x128xf32, #tpu.memory_space<vmem>> -> memref<80x128xf32, #tpu.memory_space<vmem>>
      tpu.enqueue_dma source(%dma_start3A_294 : memref<80x128xf32, #tpu.memory_space<vmem>>) target(%dma_start3A_290 : memref<80x128xf32, #tpu.memory_space<vmem_shared>>) target_semaphore(%run_scoped3A_282 : memref<!tpu.dma_semaphore, #tpu.memory_space<semaphore_mem>>)
      %dma_wait3A_295 = arith.constant 0 : i32
      %dma_wait3A_296 = arith.constant 0 : i32
      %dma_wait3A_297 = tpu.memref_slice %arg8[%run_scoped3A_21, %dma_wait3A_295, %dma_wait3A_296] : memref<4x80x128xf32, #tpu.memory_space<vmem>> -> memref<1x80x128xf32, #tpu.memory_space<vmem>>
      %dma_wait3A_298 = tpu.memref_squeeze %dma_wait3A_297 : memref<1x80x128xf32, #tpu.memory_space<vmem>> -> memref<80x128xf32, #tpu.memory_space<vmem>>
      %dma_wait3A_299 = arith.constant 0 : i32
      %dma_wait3A_300 = tpu.memref_slice %arg9[%add3A_20, %dma_wait3A_299] : memref<10000x128xf32, #tpu.memory_space<vmem_shared>> -> memref<80x128xf32, #tpu.memory_space<vmem_shared>>
      %dma_wait3A_301 = arith.constant 0 : i32
      %dma_wait3A_302 = tpu.memref_slice %arg9[%add3A_20, %dma_wait3A_301] : memref<10000x128xf32, #tpu.memory_space<vmem_shared>> -> memref<80x128xf32, #tpu.memory_space<vmem_shared>>
      %dma_wait3A_303 = arith.constant 0 : i32
      %dma_wait3A_304 = arith.constant 0 : i32
      %dma_wait3A_305 = tpu.memref_slice %arg8[%run_scoped3A_21, %dma_wait3A_303, %dma_wait3A_304] : memref<4x80x128xf32, #tpu.memory_space<vmem>> -> memref<1x80x128xf32, #tpu.memory_space<vmem>>
      %dma_wait3A_306 = tpu.memref_squeeze %dma_wait3A_305 : memref<1x80x128xf32, #tpu.memory_space<vmem>> -> memref<80x128xf32, #tpu.memory_space<vmem>>
      tpu.wait_dma2 semaphore(%run_scoped3A_282 : memref<!tpu.dma_semaphore, #tpu.memory_space<semaphore_mem>>) src(%dma_wait3A_306 : memref<80x128xf32, #tpu.memory_space<vmem>>) dst(%dma_wait3A_302 : memref<80x128xf32, #tpu.memory_space<vmem_shared>>)
      tpu.yield
    }) : () -> ()
    %add3A_22 = arith.constant 480 : i32
    %add3A_23 = arith.addi %mul3A_5, %add3A_22 : i32
    %run_scoped3A_24 = arith.constant 0 : i32
    "tpu.region"() ({
      %run_scoped3A_282 = tpu.sem_alloc : memref<!tpu.dma_semaphore, #tpu.memory_space<semaphore_mem>>
      %dma_start3A_283 = arith.constant 0 : i32
      %dma_start3A_284 = arith.constant 0 : i32
      %dma_start3A_285 = tpu.memref_slice %arg8[%run_scoped3A_24, %dma_start3A_283, %dma_start3A_284] : memref<4x80x128xf32, #tpu.memory_space<vmem>> -> memref<1x80x128xf32, #tpu.memory_space<vmem>>
      %dma_start3A_286 = tpu.memref_squeeze %dma_start3A_285 : memref<1x80x128xf32, #tpu.memory_space<vmem>> -> memref<80x128xf32, #tpu.memory_space<vmem>>
      %dma_start3A_287 = arith.constant 0 : i32
      %dma_start3A_288 = tpu.memref_slice %arg9[%add3A_23, %dma_start3A_287] : memref<10000x128xf32, #tpu.memory_space<vmem_shared>> -> memref<80x128xf32, #tpu.memory_space<vmem_shared>>
      %dma_start3A_289 = arith.constant 0 : i32
      %dma_start3A_290 = tpu.memref_slice %arg9[%add3A_23, %dma_start3A_289] : memref<10000x128xf32, #tpu.memory_space<vmem_shared>> -> memref<80x128xf32, #tpu.memory_space<vmem_shared>>
      %dma_start3A_291 = arith.constant 0 : i32
      %dma_start3A_292 = arith.constant 0 : i32
      %dma_start3A_293 = tpu.memref_slice %arg8[%run_scoped3A_24, %dma_start3A_291, %dma_start3A_292] : memref<4x80x128xf32, #tpu.memory_space<vmem>> -> memref<1x80x128xf32, #tpu.memory_space<vmem>>
      %dma_start3A_294 = tpu.memref_squeeze %dma_start3A_293 : memref<1x80x128xf32, #tpu.memory_space<vmem>> -> memref<80x128xf32, #tpu.memory_space<vmem>>
      tpu.enqueue_dma source(%dma_start3A_294 : memref<80x128xf32, #tpu.memory_space<vmem>>) target(%dma_start3A_290 : memref<80x128xf32, #tpu.memory_space<vmem_shared>>) target_semaphore(%run_scoped3A_282 : memref<!tpu.dma_semaphore, #tpu.memory_space<semaphore_mem>>)
      %dma_wait3A_295 = arith.constant 0 : i32
      %dma_wait3A_296 = arith.constant 0 : i32
      %dma_wait3A_297 = tpu.memref_slice %arg8[%run_scoped3A_24, %dma_wait3A_295, %dma_wait3A_296] : memref<4x80x128xf32, #tpu.memory_space<vmem>> -> memref<1x80x128xf32, #tpu.memory_space<vmem>>
      %dma_wait3A_298 = tpu.memref_squeeze %dma_wait3A_297 : memref<1x80x128xf32, #tpu.memory_space<vmem>> -> memref<80x128xf32, #tpu.memory_space<vmem>>
      %dma_wait3A_299 = arith.constant 0 : i32
      %dma_wait3A_300 = tpu.memref_slice %arg9[%add3A_23, %dma_wait3A_299] : memref<10000x128xf32, #tpu.memory_space<vmem_shared>> -> memref<80x128xf32, #tpu.memory_space<vmem_shared>>
      %dma_wait3A_301 = arith.constant 0 : i32
      %dma_wait3A_302 = tpu.memref_slice %arg9[%add3A_23, %dma_wait3A_301] : memref<10000x128xf32, #tpu.memory_space<vmem_shared>> -> memref<80x128xf32, #tpu.memory_space<vmem_shared>>
      %dma_wait3A_303 = arith.constant 0 : i32
      %dma_wait3A_304 = arith.constant 0 : i32
      %dma_wait3A_305 = tpu.memref_slice %arg8[%run_scoped3A_24, %dma_wait3A_303, %dma_wait3A_304] : memref<4x80x128xf32, #tpu.memory_space<vmem>> -> memref<1x80x128xf32, #tpu.memory_space<vmem>>
      %dma_wait3A_306 = tpu.memref_squeeze %dma_wait3A_305 : memref<1x80x128xf32, #tpu.memory_space<vmem>> -> memref<80x128xf32, #tpu.memory_space<vmem>>
      tpu.wait_dma2 semaphore(%run_scoped3A_282 : memref<!tpu.dma_semaphore, #tpu.memory_space<semaphore_mem>>) src(%dma_wait3A_306 : memref<80x128xf32, #tpu.memory_space<vmem>>) dst(%dma_wait3A_302 : memref<80x128xf32, #tpu.memory_space<vmem_shared>>)
      tpu.yield
    }) : () -> ()
    %add3A_25 = arith.constant 560 : i32
    %add3A_26 = arith.addi %mul3A_5, %add3A_25 : i32
    %run_scoped3A_27 = arith.constant 0 : i32
    "tpu.region"() ({
      %run_scoped3A_282 = tpu.sem_alloc : memref<!tpu.dma_semaphore, #tpu.memory_space<semaphore_mem>>
      %dma_start3A_283 = arith.constant 0 : i32
      %dma_start3A_284 = arith.constant 0 : i32
      %dma_start3A_285 = tpu.memref_slice %arg8[%run_scoped3A_27, %dma_start3A_283, %dma_start3A_284] : memref<4x80x128xf32, #tpu.memory_space<vmem>> -> memref<1x64x128xf32, #tpu.memory_space<vmem>>
      %dma_start3A_286 = tpu.memref_squeeze %dma_start3A_285 : memref<1x64x128xf32, #tpu.memory_space<vmem>> -> memref<64x128xf32, #tpu.memory_space<vmem>>
      %dma_start3A_287 = arith.constant 0 : i32
      %dma_start3A_288 = tpu.memref_slice %arg9[%add3A_26, %dma_start3A_287] : memref<10000x128xf32, #tpu.memory_space<vmem_shared>> -> memref<64x128xf32, #tpu.memory_space<vmem_shared>>
      %dma_start3A_289 = arith.constant 0 : i32
      %dma_start3A_290 = tpu.memref_slice %arg9[%add3A_26, %dma_start3A_289] : memref<10000x128xf32, #tpu.memory_space<vmem_shared>> -> memref<64x128xf32, #tpu.memory_space<vmem_shared>>
      %dma_start3A_291 = arith.constant 0 : i32
      %dma_start3A_292 = arith.constant 0 : i32
      %dma_start3A_293 = tpu.memref_slice %arg8[%run_scoped3A_27, %dma_start3A_291, %dma_start3A_292] : memref<4x80x128xf32, #tpu.memory_space<vmem>> -> memref<1x64x128xf32, #tpu.memory_space<vmem>>
      %dma_start3A_294 = tpu.memref_squeeze %dma_start3A_293 : memref<1x64x128xf32, #tpu.memory_space<vmem>> -> memref<64x128xf32, #tpu.memory_space<vmem>>
      tpu.enqueue_dma source(%dma_start3A_294 : memref<64x128xf32, #tpu.memory_space<vmem>>) target(%dma_start3A_290 : memref<64x128xf32, #tpu.memory_space<vmem_shared>>) target_semaphore(%run_scoped3A_282 : memref<!tpu.dma_semaphore, #tpu.memory_space<semaphore_mem>>)
      %dma_wait3A_295 = arith.constant 0 : i32
      %dma_wait3A_296 = arith.constant 0 : i32
      %dma_wait3A_297 = tpu.memref_slice %arg8[%run_scoped3A_27, %dma_wait3A_295, %dma_wait3A_296] : memref<4x80x128xf32, #tpu.memory_space<vmem>> -> memref<1x64x128xf32, #tpu.memory_space<vmem>>
      %dma_wait3A_298 = tpu.memref_squeeze %dma_wait3A_297 : memref<1x64x128xf32, #tpu.memory_space<vmem>> -> memref<64x128xf32, #tpu.memory_space<vmem>>
      %dma_wait3A_299 = arith.constant 0 : i32
      %dma_wait3A_300 = tpu.memref_slice %arg9[%add3A_26, %dma_wait3A_299] : memref<10000x128xf32, #tpu.memory_space<vmem_shared>> -> memref<64x128xf32, #tpu.memory_space<vmem_shared>>
      %dma_wait3A_301 = arith.constant 0 : i32
      %dma_wait3A_302 = tpu.memref_slice %arg9[%add3A_26, %dma_wait3A_301] : memref<10000x128xf32, #tpu.memory_space<vmem_shared>> -> memref<64x128xf32, #tpu.memory_space<vmem_shared>>
      %dma_wait3A_303 = arith.constant 0 : i32
      %dma_wait3A_304 = arith.constant 0 : i32
      %dma_wait3A_305 = tpu.memref_slice %arg8[%run_scoped3A_27, %dma_wait3A_303, %dma_wait3A_304] : memref<4x80x128xf32, #tpu.memory_space<vmem>> -> memref<1x64x128xf32, #tpu.memory_space<vmem>>
      %dma_wait3A_306 = tpu.memref_squeeze %dma_wait3A_305 : memref<1x64x128xf32, #tpu.memory_space<vmem>> -> memref<64x128xf32, #tpu.memory_space<vmem>>
      tpu.wait_dma2 semaphore(%run_scoped3A_282 : memref<!tpu.dma_semaphore, #tpu.memory_space<semaphore_mem>>) src(%dma_wait3A_306 : memref<64x128xf32, #tpu.memory_space<vmem>>) dst(%dma_wait3A_302 : memref<64x128xf32, #tpu.memory_space<vmem_shared>>)
      tpu.yield
    }) : () -> ()
    %eq3A = arith.constant 15 : i32
    %eq3A_28 = arith.cmpi eq, %arg1, %eq3A : i32
    %convert_element_type3A = arith.extui %eq3A_28 : i1 to i32
    %cond3A = arith.constant 0 : i32
    %cond3A_29 = arith.cmpi ne, %convert_element_type3A, %cond3A : i32
    scf.if %cond3A_29 {
      %run_scoped3A_282 = arith.constant 0 : i32
      "tpu.region"() ({
        %run_scoped3A_283 = tpu.sem_alloc : memref<!tpu.dma_semaphore, #tpu.memory_space<semaphore_mem>>
        %dma_start3A_284 = arith.constant 0 : i32
        %dma_start3A_285 = arith.constant 0 : i32
        %dma_start3A_286 = tpu.memref_slice %arg8[%run_scoped3A_282, %dma_start3A_284, %dma_start3A_285] : memref<4x80x128xf32, #tpu.memory_space<vmem>> -> memref<1x16x128xf32, #tpu.memory_space<vmem>>
        %dma_start3A_287 = tpu.memref_squeeze %dma_start3A_286 : memref<1x16x128xf32, #tpu.memory_space<vmem>> -> memref<16x128xf32, #tpu.memory_space<vmem>>
        %dma_start3A_288 = arith.constant 9984 : i32
        %dma_start3A_289 = arith.constant 0 : i32
        %dma_start3A_290 = tpu.memref_slice %arg9[%dma_start3A_288, %dma_start3A_289] : memref<10000x128xf32, #tpu.memory_space<vmem_shared>> -> memref<16x128xf32, #tpu.memory_space<vmem_shared>>
        %dma_start3A_291 = arith.constant 9984 : i32
        %dma_start3A_292 = arith.constant 0 : i32
        %dma_start3A_293 = tpu.memref_slice %arg9[%dma_start3A_291, %dma_start3A_292] : memref<10000x128xf32, #tpu.memory_space<vmem_shared>> -> memref<16x128xf32, #tpu.memory_space<vmem_shared>>
        %dma_start3A_294 = arith.constant 0 : i32
        %dma_start3A_295 = arith.constant 0 : i32
        %dma_start3A_296 = tpu.memref_slice %arg8[%run_scoped3A_282, %dma_start3A_294, %dma_start3A_295] : memref<4x80x128xf32, #tpu.memory_space<vmem>> -> memref<1x16x128xf32, #tpu.memory_space<vmem>>
        %dma_start3A_297 = tpu.memref_squeeze %dma_start3A_296 : memref<1x16x128xf32, #tpu.memory_space<vmem>> -> memref<16x128xf32, #tpu.memory_space<vmem>>
        tpu.enqueue_dma source(%dma_start3A_297 : memref<16x128xf32, #tpu.memory_space<vmem>>) target(%dma_start3A_293 : memref<16x128xf32, #tpu.memory_space<vmem_shared>>) target_semaphore(%run_scoped3A_283 : memref<!tpu.dma_semaphore, #tpu.memory_space<semaphore_mem>>)
        %dma_wait3A_298 = arith.constant 0 : i32
        %dma_wait3A_299 = arith.constant 0 : i32
        %dma_wait3A_300 = tpu.memref_slice %arg8[%run_scoped3A_282, %dma_wait3A_298, %dma_wait3A_299] : memref<4x80x128xf32, #tpu.memory_space<vmem>> -> memref<1x16x128xf32, #tpu.memory_space<vmem>>
        %dma_wait3A_301 = tpu.memref_squeeze %dma_wait3A_300 : memref<1x16x128xf32, #tpu.memory_space<vmem>> -> memref<16x128xf32, #tpu.memory_space<vmem>>
        %dma_wait3A_302 = arith.constant 9984 : i32
        %dma_wait3A_303 = arith.constant 0 : i32
        %dma_wait3A_304 = tpu.memref_slice %arg9[%dma_wait3A_302, %dma_wait3A_303] : memref<10000x128xf32, #tpu.memory_space<vmem_shared>> -> memref<16x128xf32, #tpu.memory_space<vmem_shared>>
        %dma_wait3A_305 = arith.constant 9984 : i32
        %dma_wait3A_306 = arith.constant 0 : i32
        %dma_wait3A_307 = tpu.memref_slice %arg9[%dma_wait3A_305, %dma_wait3A_306] : memref<10000x128xf32, #tpu.memory_space<vmem_shared>> -> memref<16x128xf32, #tpu.memory_space<vmem_shared>>
        %dma_wait3A_308 = arith.constant 0 : i32
        %dma_wait3A_309 = arith.constant 0 : i32
        %dma_wait3A_310 = tpu.memref_slice %arg8[%run_scoped3A_282, %dma_wait3A_308, %dma_wait3A_309] : memref<4x80x128xf32, #tpu.memory_space<vmem>> -> memref<1x16x128xf32, #tpu.memory_space<vmem>>
        %dma_wait3A_311 = tpu.memref_squeeze %dma_wait3A_310 : memref<1x16x128xf32, #tpu.memory_space<vmem>> -> memref<16x128xf32, #tpu.memory_space<vmem>>
        tpu.wait_dma2 semaphore(%run_scoped3A_283 : memref<!tpu.dma_semaphore, #tpu.memory_space<semaphore_mem>>) src(%dma_wait3A_311 : memref<16x128xf32, #tpu.memory_space<vmem>>) dst(%dma_wait3A_307 : memref<16x128xf32, #tpu.memory_space<vmem_shared>>)
        tpu.yield
      }) : () -> ()
    } else {
    }
    %barrier3A = arith.constant 0 : index
    tpu.barrier barrier_id(%barrier3A)
    %run_scoped3A_30 = arith.constant 0 : i32
    %run_scoped3A_31 = arith.constant 0 : i32
    "tpu.region"() ({
      %run_scoped3A_282 = tpu.sem_alloc : memref<!tpu.dma_semaphore, #tpu.memory_space<semaphore_mem>>
      %dma_start3A_283 = arith.constant 0 : i32
      %dma_start3A_284 = arith.constant 0 : i32
      %dma_start3A_285 = tpu.memref_slice %arg6[%run_scoped3A_31, %dma_start3A_283, %dma_start3A_284] : memref<6x2x80xi32, #tpu.memory_space<vmem>> -> memref<1x2x80xi32, #tpu.memory_space<vmem>>
      %dma_start3A_286 = tpu.memref_squeeze %dma_start3A_285 : memref<1x2x80xi32, #tpu.memory_space<vmem>> -> memref<2x80xi32, #tpu.memory_space<vmem>>
      %dma_start3A_287 = arith.constant 0 : i32
      %dma_start3A_288 = arith.constant 0 : i32
      %dma_start3A_289 = tpu.memref_slice %arg2[%arg0, %arg1, %run_scoped3A_30, %dma_start3A_287, %dma_start3A_288] : memref<2x16x250x2x80xi32, #tpu.memory_space<hbm>> -> memref<1x1x1x2x80xi32, #tpu.memory_space<hbm>>
      %dma_start3A_290 = tpu.memref_squeeze %dma_start3A_289 : memref<1x1x1x2x80xi32, #tpu.memory_space<hbm>> -> memref<2x80xi32, #tpu.memory_space<hbm>>
      %dma_start3A_291 = arith.constant 0 : i32
      %dma_start3A_292 = arith.constant 0 : i32
      %dma_start3A_293 = tpu.memref_slice %arg6[%run_scoped3A_31, %dma_start3A_291, %dma_start3A_292] : memref<6x2x80xi32, #tpu.memory_space<vmem>> -> memref<1x2x80xi32, #tpu.memory_space<vmem>>
      %dma_start3A_294 = tpu.memref_squeeze %dma_start3A_293 : memref<1x2x80xi32, #tpu.memory_space<vmem>> -> memref<2x80xi32, #tpu.memory_space<vmem>>
      %dma_start3A_295 = arith.constant 0 : i32
      %dma_start3A_296 = arith.constant 0 : i32
      %dma_start3A_297 = tpu.memref_slice %arg2[%arg0, %arg1, %run_scoped3A_30, %dma_start3A_295, %dma_start3A_296] : memref<2x16x250x2x80xi32, #tpu.memory_space<hbm>> -> memref<1x1x1x2x80xi32, #tpu.memory_space<hbm>>
      %dma_start3A_298 = tpu.memref_squeeze %dma_start3A_297 : memref<1x1x1x2x80xi32, #tpu.memory_space<hbm>> -> memref<2x80xi32, #tpu.memory_space<hbm>>
      tpu.enqueue_dma source(%dma_start3A_298 : memref<2x80xi32, #tpu.memory_space<hbm>>) target(%dma_start3A_294 : memref<2x80xi32, #tpu.memory_space<vmem>>) target_semaphore(%run_scoped3A_282 : memref<!tpu.dma_semaphore, #tpu.memory_space<semaphore_mem>>)
      %dma_wait3A_299 = arith.constant 0 : i32
      %dma_wait3A_300 = arith.constant 0 : i32
      %dma_wait3A_301 = tpu.memref_slice %arg6[%run_scoped3A_31, %dma_wait3A_299, %dma_wait3A_300] : memref<6x2x80xi32, #tpu.memory_space<vmem>> -> memref<1x2x80xi32, #tpu.memory_space<vmem>>
      %dma_wait3A_302 = tpu.memref_squeeze %dma_wait3A_301 : memref<1x2x80xi32, #tpu.memory_space<vmem>> -> memref<2x80xi32, #tpu.memory_space<vmem>>
      %dma_wait3A_303 = arith.constant 0 : i32
      %dma_wait3A_304 = arith.constant 0 : i32
      %dma_wait3A_305 = tpu.memref_slice %arg2[%arg0, %arg1, %run_scoped3A_30, %dma_wait3A_303, %dma_wait3A_304] : memref<2x16x250x2x80xi32, #tpu.memory_space<hbm>> -> memref<1x1x1x2x80xi32, #tpu.memory_space<hbm>>
      %dma_wait3A_306 = tpu.memref_squeeze %dma_wait3A_305 : memref<1x1x1x2x80xi32, #tpu.memory_space<hbm>> -> memref<2x80xi32, #tpu.memory_space<hbm>>
      %dma_wait3A_307 = arith.constant 0 : i32
      %dma_wait3A_308 = arith.constant 0 : i32
      %dma_wait3A_309 = tpu.memref_slice %arg6[%run_scoped3A_31, %dma_wait3A_307, %dma_wait3A_308] : memref<6x2x80xi32, #tpu.memory_space<vmem>> -> memref<1x2x80xi32, #tpu.memory_space<vmem>>
      %dma_wait3A_310 = tpu.memref_squeeze %dma_wait3A_309 : memref<1x2x80xi32, #tpu.memory_space<vmem>> -> memref<2x80xi32, #tpu.memory_space<vmem>>
      %dma_wait3A_311 = arith.constant 0 : i32
      %dma_wait3A_312 = arith.constant 0 : i32
      %dma_wait3A_313 = tpu.memref_slice %arg2[%arg0, %arg1, %run_scoped3A_30, %dma_wait3A_311, %dma_wait3A_312] : memref<2x16x250x2x80xi32, #tpu.memory_space<hbm>> -> memref<1x1x1x2x80xi32, #tpu.memory_space<hbm>>
      %dma_wait3A_314 = tpu.memref_squeeze %dma_wait3A_313 : memref<1x1x1x2x80xi32, #tpu.memory_space<hbm>> -> memref<2x80xi32, #tpu.memory_space<hbm>>
      tpu.wait_dma2 semaphore(%run_scoped3A_282 : memref<!tpu.dma_semaphore, #tpu.memory_space<semaphore_mem>>) src(%dma_wait3A_314 : memref<2x80xi32, #tpu.memory_space<hbm>>) dst(%dma_wait3A_310 : memref<2x80xi32, #tpu.memory_space<vmem>>)
      tpu.yield
    }) : () -> ()
    %run_scoped3A_32 = arith.constant 0 : i32
    %run_scoped3A_33 = arith.constant 0 : i32
    "tpu.region"() ({
      %run_scoped3A_282 = tpu.sem_alloc : memref<!tpu.dma_semaphore, #tpu.memory_space<semaphore_mem>>
      %dma_start3A_283 = arith.constant 0 : i32
      %dma_start3A_284 = tpu.memref_slice %arg7[%run_scoped3A_33, %dma_start3A_283] : memref<6x96xf32, #tpu.memory_space<vmem>> -> memref<1x80xf32, #tpu.memory_space<vmem>>
      %dma_start3A_285 = tpu.memref_squeeze %dma_start3A_284 : memref<1x80xf32, #tpu.memory_space<vmem>> -> memref<80xf32, #tpu.memory_space<vmem>>
      %dma_start3A_286 = arith.constant 0 : i32
      %dma_start3A_287 = tpu.memref_slice %arg3[%arg0, %arg1, %run_scoped3A_32, %dma_start3A_286] : memref<2x16x250x80xf32, #tpu.memory_space<hbm>> -> memref<1x1x1x80xf32, #tpu.memory_space<hbm>>
      %dma_start3A_288 = tpu.memref_squeeze %dma_start3A_287 : memref<1x1x1x80xf32, #tpu.memory_space<hbm>> -> memref<80xf32, #tpu.memory_space<hbm>>
      %dma_start3A_289 = arith.constant 0 : i32
      %dma_start3A_290 = tpu.memref_slice %arg7[%run_scoped3A_33, %dma_start3A_289] : memref<6x96xf32, #tpu.memory_space<vmem>> -> memref<1x80xf32, #tpu.memory_space<vmem>>
      %dma_start3A_291 = tpu.memref_squeeze %dma_start3A_290 : memref<1x80xf32, #tpu.memory_space<vmem>> -> memref<80xf32, #tpu.memory_space<vmem>>
      %dma_start3A_292 = arith.constant 0 : i32
      %dma_start3A_293 = tpu.memref_slice %arg3[%arg0, %arg1, %run_scoped3A_32, %dma_start3A_292] : memref<2x16x250x80xf32, #tpu.memory_space<hbm>> -> memref<1x1x1x80xf32, #tpu.memory_space<hbm>>
      %dma_start3A_294 = tpu.memref_squeeze %dma_start3A_293 : memref<1x1x1x80xf32, #tpu.memory_space<hbm>> -> memref<80xf32, #tpu.memory_space<hbm>>
      tpu.enqueue_dma source(%dma_start3A_294 : memref<80xf32, #tpu.memory_space<hbm>>) target(%dma_start3A_291 : memref<80xf32, #tpu.memory_space<vmem>>) target_semaphore(%run_scoped3A_282 : memref<!tpu.dma_semaphore, #tpu.memory_space<semaphore_mem>>)
      %dma_wait3A_295 = arith.constant 0 : i32
      %dma_wait3A_296 = tpu.memref_slice %arg7[%run_scoped3A_33, %dma_wait3A_295] : memref<6x96xf32, #tpu.memory_space<vmem>> -> memref<1x80xf32, #tpu.memory_space<vmem>>
      %dma_wait3A_297 = tpu.memref_squeeze %dma_wait3A_296 : memref<1x80xf32, #tpu.memory_space<vmem>> -> memref<80xf32, #tpu.memory_space<vmem>>
      %dma_wait3A_298 = arith.constant 0 : i32
      %dma_wait3A_299 = tpu.memref_slice %arg3[%arg0, %arg1, %run_scoped3A_32, %dma_wait3A_298] : memref<2x16x250x80xf32, #tpu.memory_space<hbm>> -> memref<1x1x1x80xf32, #tpu.memory_space<hbm>>
      %dma_wait3A_300 = tpu.memref_squeeze %dma_wait3A_299 : memref<1x1x1x80xf32, #tpu.memory_space<hbm>> -> memref<80xf32, #tpu.memory_space<hbm>>
      %dma_wait3A_301 = arith.constant 0 : i32
      %dma_wait3A_302 = tpu.memref_slice %arg7[%run_scoped3A_33, %dma_wait3A_301] : memref<6x96xf32, #tpu.memory_space<vmem>> -> memref<1x80xf32, #tpu.memory_space<vmem>>
      %dma_wait3A_303 = tpu.memref_squeeze %dma_wait3A_302 : memref<1x80xf32, #tpu.memory_space<vmem>> -> memref<80xf32, #tpu.memory_space<vmem>>
      %dma_wait3A_304 = arith.constant 0 : i32
      %dma_wait3A_305 = tpu.memref_slice %arg3[%arg0, %arg1, %run_scoped3A_32, %dma_wait3A_304] : memref<2x16x250x80xf32, #tpu.memory_space<hbm>> -> memref<1x1x1x80xf32, #tpu.memory_space<hbm>>
      %dma_wait3A_306 = tpu.memref_squeeze %dma_wait3A_305 : memref<1x1x1x80xf32, #tpu.memory_space<hbm>> -> memref<80xf32, #tpu.memory_space<hbm>>
      tpu.wait_dma2 semaphore(%run_scoped3A_282 : memref<!tpu.dma_semaphore, #tpu.memory_space<semaphore_mem>>) src(%dma_wait3A_306 : memref<80xf32, #tpu.memory_space<hbm>>) dst(%dma_wait3A_303 : memref<80xf32, #tpu.memory_space<vmem>>)
      tpu.yield
    }) : () -> ()
    %dma_start3A = arith.constant 1 : i32
    %dma_start3A_34 = arith.constant 1 : i32
    %dma_start3A_35 = arith.constant 1 : i32
    %dma_start3A_36 = arith.constant 0 : i32
    %dma_start3A_37 = arith.constant 0 : i32
    %dma_start3A_38 = tpu.memref_slice %arg6[%dma_start3A_34, %dma_start3A_36, %dma_start3A_37] : memref<6x2x80xi32, #tpu.memory_space<vmem>> -> memref<1x2x80xi32, #tpu.memory_space<vmem>>
    %dma_start3A_39 = tpu.memref_squeeze %dma_start3A_38 : memref<1x2x80xi32, #tpu.memory_space<vmem>> -> memref<2x80xi32, #tpu.memory_space<vmem>>
    %dma_start3A_40 = arith.constant 0 : i32
    %dma_start3A_41 = arith.constant 0 : i32
    %dma_start3A_42 = tpu.memref_slice %arg2[%arg0, %arg1, %dma_start3A, %dma_start3A_40, %dma_start3A_41] : memref<2x16x250x2x80xi32, #tpu.memory_space<hbm>> -> memref<1x1x1x2x80xi32, #tpu.memory_space<hbm>>
    %dma_start3A_43 = tpu.memref_squeeze %dma_start3A_42 : memref<1x1x1x2x80xi32, #tpu.memory_space<hbm>> -> memref<2x80xi32, #tpu.memory_space<hbm>>
    %dma_start3A_44 = tpu.memref_slice %arg10[%dma_start3A_35] : memref<6x!tpu.dma_semaphore, #tpu.memory_space<semaphore_mem>> -> memref<1x!tpu.dma_semaphore, #tpu.memory_space<semaphore_mem>>
    %dma_start3A_45 = tpu.memref_squeeze %dma_start3A_44 : memref<1x!tpu.dma_semaphore, #tpu.memory_space<semaphore_mem>> -> memref<!tpu.dma_semaphore, #tpu.memory_space<semaphore_mem>>
    %dma_start3A_46 = arith.constant 0 : i32
    %dma_start3A_47 = arith.constant 0 : i32
    %dma_start3A_48 = tpu.memref_slice %arg6[%dma_start3A_34, %dma_start3A_46, %dma_start3A_47] : memref<6x2x80xi32, #tpu.memory_space<vmem>> -> memref<1x2x80xi32, #tpu.memory_space<vmem>>
    %dma_start3A_49 = tpu.memref_squeeze %dma_start3A_48 : memref<1x2x80xi32, #tpu.memory_space<vmem>> -> memref<2x80xi32, #tpu.memory_space<vmem>>
    %dma_start3A_50 = arith.constant 0 : i32
    %dma_start3A_51 = arith.constant 0 : i32
    %dma_start3A_52 = tpu.memref_slice %arg2[%arg0, %arg1, %dma_start3A, %dma_start3A_50, %dma_start3A_51] : memref<2x16x250x2x80xi32, #tpu.memory_space<hbm>> -> memref<1x1x1x2x80xi32, #tpu.memory_space<hbm>>
    %dma_start3A_53 = tpu.memref_squeeze %dma_start3A_52 : memref<1x1x1x2x80xi32, #tpu.memory_space<hbm>> -> memref<2x80xi32, #tpu.memory_space<hbm>>
    tpu.enqueue_dma source(%dma_start3A_53 : memref<2x80xi32, #tpu.memory_space<hbm>>) target(%dma_start3A_49 : memref<2x80xi32, #tpu.memory_space<vmem>>) target_semaphore(%dma_start3A_45 : memref<!tpu.dma_semaphore, #tpu.memory_space<semaphore_mem>>)
    %dma_start3A_54 = arith.constant 1 : i32
    %dma_start3A_55 = arith.constant 1 : i32
    %dma_start3A_56 = arith.constant 1 : i32
    %dma_start3A_57 = arith.constant 0 : i32
    %dma_start3A_58 = tpu.memref_slice %arg7[%dma_start3A_55, %dma_start3A_57] : memref<6x96xf32, #tpu.memory_space<vmem>> -> memref<1x80xf32, #tpu.memory_space<vmem>>
    %dma_start3A_59 = tpu.memref_squeeze %dma_start3A_58 : memref<1x80xf32, #tpu.memory_space<vmem>> -> memref<80xf32, #tpu.memory_space<vmem>>
    %dma_start3A_60 = arith.constant 0 : i32
    %dma_start3A_61 = tpu.memref_slice %arg3[%arg0, %arg1, %dma_start3A_54, %dma_start3A_60] : memref<2x16x250x80xf32, #tpu.memory_space<hbm>> -> memref<1x1x1x80xf32, #tpu.memory_space<hbm>>
    %dma_start3A_62 = tpu.memref_squeeze %dma_start3A_61 : memref<1x1x1x80xf32, #tpu.memory_space<hbm>> -> memref<80xf32, #tpu.memory_space<hbm>>
    %dma_start3A_63 = tpu.memref_slice %arg10[%dma_start3A_56] : memref<6x!tpu.dma_semaphore, #tpu.memory_space<semaphore_mem>> -> memref<1x!tpu.dma_semaphore, #tpu.memory_space<semaphore_mem>>
    %dma_start3A_64 = tpu.memref_squeeze %dma_start3A_63 : memref<1x!tpu.dma_semaphore, #tpu.memory_space<semaphore_mem>> -> memref<!tpu.dma_semaphore, #tpu.memory_space<semaphore_mem>>
    %dma_start3A_65 = arith.constant 0 : i32
    %dma_start3A_66 = tpu.memref_slice %arg7[%dma_start3A_55, %dma_start3A_65] : memref<6x96xf32, #tpu.memory_space<vmem>> -> memref<1x80xf32, #tpu.memory_space<vmem>>
    %dma_start3A_67 = tpu.memref_squeeze %dma_start3A_66 : memref<1x80xf32, #tpu.memory_space<vmem>> -> memref<80xf32, #tpu.memory_space<vmem>>
    %dma_start3A_68 = arith.constant 0 : i32
    %dma_start3A_69 = tpu.memref_slice %arg3[%arg0, %arg1, %dma_start3A_54, %dma_start3A_68] : memref<2x16x250x80xf32, #tpu.memory_space<hbm>> -> memref<1x1x1x80xf32, #tpu.memory_space<hbm>>
    %dma_start3A_70 = tpu.memref_squeeze %dma_start3A_69 : memref<1x1x1x80xf32, #tpu.memory_space<hbm>> -> memref<80xf32, #tpu.memory_space<hbm>>
    tpu.enqueue_dma source(%dma_start3A_70 : memref<80xf32, #tpu.memory_space<hbm>>) target(%dma_start3A_67 : memref<80xf32, #tpu.memory_space<vmem>>) target_semaphore(%dma_start3A_64 : memref<!tpu.dma_semaphore, #tpu.memory_space<semaphore_mem>>)
    %dma_start3A_71 = arith.constant 2 : i32
    %dma_start3A_72 = arith.constant 2 : i32
    %dma_start3A_73 = arith.constant 2 : i32
    %dma_start3A_74 = arith.constant 0 : i32
    %dma_start3A_75 = arith.constant 0 : i32
    %dma_start3A_76 = tpu.memref_slice %arg6[%dma_start3A_72, %dma_start3A_74, %dma_start3A_75] : memref<6x2x80xi32, #tpu.memory_space<vmem>> -> memref<1x2x80xi32, #tpu.memory_space<vmem>>
    %dma_start3A_77 = tpu.memref_squeeze %dma_start3A_76 : memref<1x2x80xi32, #tpu.memory_space<vmem>> -> memref<2x80xi32, #tpu.memory_space<vmem>>
    %dma_start3A_78 = arith.constant 0 : i32
    %dma_start3A_79 = arith.constant 0 : i32
    %dma_start3A_80 = tpu.memref_slice %arg2[%arg0, %arg1, %dma_start3A_71, %dma_start3A_78, %dma_start3A_79] : memref<2x16x250x2x80xi32, #tpu.memory_space<hbm>> -> memref<1x1x1x2x80xi32, #tpu.memory_space<hbm>>
    %dma_start3A_81 = tpu.memref_squeeze %dma_start3A_80 : memref<1x1x1x2x80xi32, #tpu.memory_space<hbm>> -> memref<2x80xi32, #tpu.memory_space<hbm>>
    %dma_start3A_82 = tpu.memref_slice %arg10[%dma_start3A_73] : memref<6x!tpu.dma_semaphore, #tpu.memory_space<semaphore_mem>> -> memref<1x!tpu.dma_semaphore, #tpu.memory_space<semaphore_mem>>
    %dma_start3A_83 = tpu.memref_squeeze %dma_start3A_82 : memref<1x!tpu.dma_semaphore, #tpu.memory_space<semaphore_mem>> -> memref<!tpu.dma_semaphore, #tpu.memory_space<semaphore_mem>>
    %dma_start3A_84 = arith.constant 0 : i32
    %dma_start3A_85 = arith.constant 0 : i32
    %dma_start3A_86 = tpu.memref_slice %arg6[%dma_start3A_72, %dma_start3A_84, %dma_start3A_85] : memref<6x2x80xi32, #tpu.memory_space<vmem>> -> memref<1x2x80xi32, #tpu.memory_space<vmem>>
    %dma_start3A_87 = tpu.memref_squeeze %dma_start3A_86 : memref<1x2x80xi32, #tpu.memory_space<vmem>> -> memref<2x80xi32, #tpu.memory_space<vmem>>
    %dma_start3A_88 = arith.constant 0 : i32
    %dma_start3A_89 = arith.constant 0 : i32
    %dma_start3A_90 = tpu.memref_slice %arg2[%arg0, %arg1, %dma_start3A_71, %dma_start3A_88, %dma_start3A_89] : memref<2x16x250x2x80xi32, #tpu.memory_space<hbm>> -> memref<1x1x1x2x80xi32, #tpu.memory_space<hbm>>
    %dma_start3A_91 = tpu.memref_squeeze %dma_start3A_90 : memref<1x1x1x2x80xi32, #tpu.memory_space<hbm>> -> memref<2x80xi32, #tpu.memory_space<hbm>>
    tpu.enqueue_dma source(%dma_start3A_91 : memref<2x80xi32, #tpu.memory_space<hbm>>) target(%dma_start3A_87 : memref<2x80xi32, #tpu.memory_space<vmem>>) target_semaphore(%dma_start3A_83 : memref<!tpu.dma_semaphore, #tpu.memory_space<semaphore_mem>>)
    %dma_start3A_92 = arith.constant 2 : i32
    %dma_start3A_93 = arith.constant 2 : i32
    %dma_start3A_94 = arith.constant 2 : i32
    %dma_start3A_95 = arith.constant 0 : i32
    %dma_start3A_96 = tpu.memref_slice %arg7[%dma_start3A_93, %dma_start3A_95] : memref<6x96xf32, #tpu.memory_space<vmem>> -> memref<1x80xf32, #tpu.memory_space<vmem>>
    %dma_start3A_97 = tpu.memref_squeeze %dma_start3A_96 : memref<1x80xf32, #tpu.memory_space<vmem>> -> memref<80xf32, #tpu.memory_space<vmem>>
    %dma_start3A_98 = arith.constant 0 : i32
    %dma_start3A_99 = tpu.memref_slice %arg3[%arg0, %arg1, %dma_start3A_92, %dma_start3A_98] : memref<2x16x250x80xf32, #tpu.memory_space<hbm>> -> memref<1x1x1x80xf32, #tpu.memory_space<hbm>>
    %dma_start3A_100 = tpu.memref_squeeze %dma_start3A_99 : memref<1x1x1x80xf32, #tpu.memory_space<hbm>> -> memref<80xf32, #tpu.memory_space<hbm>>
    %dma_start3A_101 = tpu.memref_slice %arg10[%dma_start3A_94] : memref<6x!tpu.dma_semaphore, #tpu.memory_space<semaphore_mem>> -> memref<1x!tpu.dma_semaphore, #tpu.memory_space<semaphore_mem>>
    %dma_start3A_102 = tpu.memref_squeeze %dma_start3A_101 : memref<1x!tpu.dma_semaphore, #tpu.memory_space<semaphore_mem>> -> memref<!tpu.dma_semaphore, #tpu.memory_space<semaphore_mem>>
    %dma_start3A_103 = arith.constant 0 : i32
    %dma_start3A_104 = tpu.memref_slice %arg7[%dma_start3A_93, %dma_start3A_103] : memref<6x96xf32, #tpu.memory_space<vmem>> -> memref<1x80xf32, #tpu.memory_space<vmem>>
    %dma_start3A_105 = tpu.memref_squeeze %dma_start3A_104 : memref<1x80xf32, #tpu.memory_space<vmem>> -> memref<80xf32, #tpu.memory_space<vmem>>
    %dma_start3A_106 = arith.constant 0 : i32
    %dma_start3A_107 = tpu.memref_slice %arg3[%arg0, %arg1, %dma_start3A_92, %dma_start3A_106] : memref<2x16x250x80xf32, #tpu.memory_space<hbm>> -> memref<1x1x1x80xf32, #tpu.memory_space<hbm>>
    %dma_start3A_108 = tpu.memref_squeeze %dma_start3A_107 : memref<1x1x1x80xf32, #tpu.memory_space<hbm>> -> memref<80xf32, #tpu.memory_space<hbm>>
    tpu.enqueue_dma source(%dma_start3A_108 : memref<80xf32, #tpu.memory_space<hbm>>) target(%dma_start3A_105 : memref<80xf32, #tpu.memory_space<vmem>>) target_semaphore(%dma_start3A_102 : memref<!tpu.dma_semaphore, #tpu.memory_space<semaphore_mem>>)
    %dma_start3A_109 = arith.constant 0 : i32
    %dma_start3A_110 = arith.constant 0 : i32
    %dma_start3A_111 = arith.constant 0 : i32
    %dma_start3A_112 = arith.constant 0 : i32
    %dma_start3A_113 = arith.constant 0 : i32
    %dma_start3A_114 = arith.constant 0 : i32
    %dma_start3A_115 = tpu.memref_slice %arg8[%dma_start3A_111, %dma_start3A_113, %dma_start3A_114] : memref<4x80x128xf32, #tpu.memory_space<vmem>> -> memref<1x80x128xf32, #tpu.memory_space<vmem>>
    %dma_start3A_116 = tpu.memref_squeeze %dma_start3A_115 : memref<1x80x128xf32, #tpu.memory_space<vmem>> -> memref<80x128xf32, #tpu.memory_space<vmem>>
    %dma_start3A_117 = arith.constant 0 : i32
    %dma_start3A_118 = tpu.memref_slice %arg6[%dma_start3A_109, %dma_start3A_110, %dma_start3A_117] : memref<6x2x80xi32, #tpu.memory_space<vmem>> -> memref<1x1x80xi32, #tpu.memory_space<vmem>>
    %dma_start3A_119 = tpu.memref_squeeze %dma_start3A_118 : memref<1x1x80xi32, #tpu.memory_space<vmem>> -> memref<80xi32, #tpu.memory_space<vmem>>
    %dma_start3A_120 = arith.constant 0 : i32
    %dma_start3A_121 = arith.constant 0 : i32
    %dma_start3A_122 = tpu.memref_slice %arg4[%dma_start3A_120, %dma_start3A_121] : memref<20000x128xf32, #tpu.memory_space<hbm>> -> memref<20000x128xf32, #tpu.memory_space<hbm>>
    %dma_start3A_123 = tpu.memref_slice %arg11[%dma_start3A_112] : memref<4x!tpu.dma_semaphore, #tpu.memory_space<semaphore_mem>> -> memref<1x!tpu.dma_semaphore, #tpu.memory_space<semaphore_mem>>
    %dma_start3A_124 = tpu.memref_squeeze %dma_start3A_123 : memref<1x!tpu.dma_semaphore, #tpu.memory_space<semaphore_mem>> -> memref<!tpu.dma_semaphore, #tpu.memory_space<semaphore_mem>>
    tpu.enqueue_indirect_dma source(%dma_start3A_122 : memref<20000x128xf32, #tpu.memory_space<hbm>>) target(%dma_start3A_116 : memref<80x128xf32, #tpu.memory_space<vmem>>) offsets(%dma_start3A_119 : memref<80xi32, #tpu.memory_space<vmem>>) semaphore(%dma_start3A_124 : memref<!tpu.dma_semaphore, #tpu.memory_space<semaphore_mem>>)
    %dma_wait3A = arith.constant 1 : i32
    %dma_wait3A_125 = arith.constant 1 : i32
    %dma_wait3A_126 = arith.constant 1 : i32
    %dma_wait3A_127 = arith.constant 0 : i32
    %dma_wait3A_128 = arith.constant 0 : i32
    %dma_wait3A_129 = tpu.memref_slice %arg6[%dma_wait3A_125, %dma_wait3A_127, %dma_wait3A_128] : memref<6x2x80xi32, #tpu.memory_space<vmem>> -> memref<1x2x80xi32, #tpu.memory_space<vmem>>
    %dma_wait3A_130 = tpu.memref_squeeze %dma_wait3A_129 : memref<1x2x80xi32, #tpu.memory_space<vmem>> -> memref<2x80xi32, #tpu.memory_space<vmem>>
    %dma_wait3A_131 = arith.constant 0 : i32
    %dma_wait3A_132 = arith.constant 0 : i32
    %dma_wait3A_133 = tpu.memref_slice %arg2[%arg0, %arg1, %dma_wait3A, %dma_wait3A_131, %dma_wait3A_132] : memref<2x16x250x2x80xi32, #tpu.memory_space<hbm>> -> memref<1x1x1x2x80xi32, #tpu.memory_space<hbm>>
    %dma_wait3A_134 = tpu.memref_squeeze %dma_wait3A_133 : memref<1x1x1x2x80xi32, #tpu.memory_space<hbm>> -> memref<2x80xi32, #tpu.memory_space<hbm>>
    %dma_wait3A_135 = tpu.memref_slice %arg10[%dma_wait3A_126] : memref<6x!tpu.dma_semaphore, #tpu.memory_space<semaphore_mem>> -> memref<1x!tpu.dma_semaphore, #tpu.memory_space<semaphore_mem>>
    %dma_wait3A_136 = tpu.memref_squeeze %dma_wait3A_135 : memref<1x!tpu.dma_semaphore, #tpu.memory_space<semaphore_mem>> -> memref<!tpu.dma_semaphore, #tpu.memory_space<semaphore_mem>>
    %dma_wait3A_137 = arith.constant 0 : i32
    %dma_wait3A_138 = arith.constant 0 : i32
    %dma_wait3A_139 = tpu.memref_slice %arg6[%dma_wait3A_125, %dma_wait3A_137, %dma_wait3A_138] : memref<6x2x80xi32, #tpu.memory_space<vmem>> -> memref<1x2x80xi32, #tpu.memory_space<vmem>>
    %dma_wait3A_140 = tpu.memref_squeeze %dma_wait3A_139 : memref<1x2x80xi32, #tpu.memory_space<vmem>> -> memref<2x80xi32, #tpu.memory_space<vmem>>
    %dma_wait3A_141 = arith.constant 0 : i32
    %dma_wait3A_142 = arith.constant 0 : i32
    %dma_wait3A_143 = tpu.memref_slice %arg2[%arg0, %arg1, %dma_wait3A, %dma_wait3A_141, %dma_wait3A_142] : memref<2x16x250x2x80xi32, #tpu.memory_space<hbm>> -> memref<1x1x1x2x80xi32, #tpu.memory_space<hbm>>
    %dma_wait3A_144 = tpu.memref_squeeze %dma_wait3A_143 : memref<1x1x1x2x80xi32, #tpu.memory_space<hbm>> -> memref<2x80xi32, #tpu.memory_space<hbm>>
    tpu.wait_dma2 semaphore(%dma_wait3A_136 : memref<!tpu.dma_semaphore, #tpu.memory_space<semaphore_mem>>) src(%dma_wait3A_144 : memref<2x80xi32, #tpu.memory_space<hbm>>) dst(%dma_wait3A_140 : memref<2x80xi32, #tpu.memory_space<vmem>>)
    %dma_wait3A_145 = arith.constant 1 : i32
    %dma_wait3A_146 = arith.constant 1 : i32
    %dma_wait3A_147 = arith.constant 1 : i32
    %dma_wait3A_148 = arith.constant 0 : i32
    %dma_wait3A_149 = tpu.memref_slice %arg7[%dma_wait3A_146, %dma_wait3A_148] : memref<6x96xf32, #tpu.memory_space<vmem>> -> memref<1x80xf32, #tpu.memory_space<vmem>>
    %dma_wait3A_150 = tpu.memref_squeeze %dma_wait3A_149 : memref<1x80xf32, #tpu.memory_space<vmem>> -> memref<80xf32, #tpu.memory_space<vmem>>
    %dma_wait3A_151 = arith.constant 0 : i32
    %dma_wait3A_152 = tpu.memref_slice %arg3[%arg0, %arg1, %dma_wait3A_145, %dma_wait3A_151] : memref<2x16x250x80xf32, #tpu.memory_space<hbm>> -> memref<1x1x1x80xf32, #tpu.memory_space<hbm>>
    %dma_wait3A_153 = tpu.memref_squeeze %dma_wait3A_152 : memref<1x1x1x80xf32, #tpu.memory_space<hbm>> -> memref<80xf32, #tpu.memory_space<hbm>>
    %dma_wait3A_154 = tpu.memref_slice %arg10[%dma_wait3A_147] : memref<6x!tpu.dma_semaphore, #tpu.memory_space<semaphore_mem>> -> memref<1x!tpu.dma_semaphore, #tpu.memory_space<semaphore_mem>>
    %dma_wait3A_155 = tpu.memref_squeeze %dma_wait3A_154 : memref<1x!tpu.dma_semaphore, #tpu.memory_space<semaphore_mem>> -> memref<!tpu.dma_semaphore, #tpu.memory_space<semaphore_mem>>
    %dma_wait3A_156 = arith.constant 0 : i32
    %dma_wait3A_157 = tpu.memref_slice %arg7[%dma_wait3A_146, %dma_wait3A_156] : memref<6x96xf32, #tpu.memory_space<vmem>> -> memref<1x80xf32, #tpu.memory_space<vmem>>
    %dma_wait3A_158 = tpu.memref_squeeze %dma_wait3A_157 : memref<1x80xf32, #tpu.memory_space<vmem>> -> memref<80xf32, #tpu.memory_space<vmem>>
    %dma_wait3A_159 = arith.constant 0 : i32
    %dma_wait3A_160 = tpu.memref_slice %arg3[%arg0, %arg1, %dma_wait3A_145, %dma_wait3A_159] : memref<2x16x250x80xf32, #tpu.memory_space<hbm>> -> memref<1x1x1x80xf32, #tpu.memory_space<hbm>>
    %dma_wait3A_161 = tpu.memref_squeeze %dma_wait3A_160 : memref<1x1x1x80xf32, #tpu.memory_space<hbm>> -> memref<80xf32, #tpu.memory_space<hbm>>
    tpu.wait_dma2 semaphore(%dma_wait3A_155 : memref<!tpu.dma_semaphore, #tpu.memory_space<semaphore_mem>>) src(%dma_wait3A_161 : memref<80xf32, #tpu.memory_space<hbm>>) dst(%dma_wait3A_158 : memref<80xf32, #tpu.memory_space<vmem>>)
    %dma_start3A_162 = arith.constant 1 : i32
    %dma_start3A_163 = arith.constant 0 : i32
    %dma_start3A_164 = arith.constant 1 : i32
    %dma_start3A_165 = arith.constant 1 : i32
    %dma_start3A_166 = arith.constant 0 : i32
    %dma_start3A_167 = arith.constant 0 : i32
    %dma_start3A_168 = tpu.memref_slice %arg8[%dma_start3A_164, %dma_start3A_166, %dma_start3A_167] : memref<4x80x128xf32, #tpu.memory_space<vmem>> -> memref<1x80x128xf32, #tpu.memory_space<vmem>>
    %dma_start3A_169 = tpu.memref_squeeze %dma_start3A_168 : memref<1x80x128xf32, #tpu.memory_space<vmem>> -> memref<80x128xf32, #tpu.memory_space<vmem>>
    %dma_start3A_170 = arith.constant 0 : i32
    %dma_start3A_171 = tpu.memref_slice %arg6[%dma_start3A_162, %dma_start3A_163, %dma_start3A_170] : memref<6x2x80xi32, #tpu.memory_space<vmem>> -> memref<1x1x80xi32, #tpu.memory_space<vmem>>
    %dma_start3A_172 = tpu.memref_squeeze %dma_start3A_171 : memref<1x1x80xi32, #tpu.memory_space<vmem>> -> memref<80xi32, #tpu.memory_space<vmem>>
    %dma_start3A_173 = arith.constant 0 : i32
    %dma_start3A_174 = arith.constant 0 : i32
    %dma_start3A_175 = tpu.memref_slice %arg4[%dma_start3A_173, %dma_start3A_174] : memref<20000x128xf32, #tpu.memory_space<hbm>> -> memref<20000x128xf32, #tpu.memory_space<hbm>>
    %dma_start3A_176 = tpu.memref_slice %arg11[%dma_start3A_165] : memref<4x!tpu.dma_semaphore, #tpu.memory_space<semaphore_mem>> -> memref<1x!tpu.dma_semaphore, #tpu.memory_space<semaphore_mem>>
    %dma_start3A_177 = tpu.memref_squeeze %dma_start3A_176 : memref<1x!tpu.dma_semaphore, #tpu.memory_space<semaphore_mem>> -> memref<!tpu.dma_semaphore, #tpu.memory_space<semaphore_mem>>
    tpu.enqueue_indirect_dma source(%dma_start3A_175 : memref<20000x128xf32, #tpu.memory_space<hbm>>) target(%dma_start3A_169 : memref<80x128xf32, #tpu.memory_space<vmem>>) offsets(%dma_start3A_172 : memref<80xi32, #tpu.memory_space<vmem>>) semaphore(%dma_start3A_177 : memref<!tpu.dma_semaphore, #tpu.memory_space<semaphore_mem>>)
    %dma_start3A_178 = arith.constant 3 : i32
    %dma_start3A_179 = arith.constant 3 : i32
    %dma_start3A_180 = arith.constant 3 : i32
    %dma_start3A_181 = arith.constant 0 : i32
    %dma_start3A_182 = arith.constant 0 : i32
    %dma_start3A_183 = tpu.memref_slice %arg6[%dma_start3A_179, %dma_start3A_181, %dma_start3A_182] : memref<6x2x80xi32, #tpu.memory_space<vmem>> -> memref<1x2x80xi32, #tpu.memory_space<vmem>>
    %dma_start3A_184 = tpu.memref_squeeze %dma_start3A_183 : memref<1x2x80xi32, #tpu.memory_space<vmem>> -> memref<2x80xi32, #tpu.memory_space<vmem>>
    %dma_start3A_185 = arith.constant 0 : i32
    %dma_start3A_186 = arith.constant 0 : i32
    %dma_start3A_187 = tpu.memref_slice %arg2[%arg0, %arg1, %dma_start3A_178, %dma_start3A_185, %dma_start3A_186] : memref<2x16x250x2x80xi32, #tpu.memory_space<hbm>> -> memref<1x1x1x2x80xi32, #tpu.memory_space<hbm>>
    %dma_start3A_188 = tpu.memref_squeeze %dma_start3A_187 : memref<1x1x1x2x80xi32, #tpu.memory_space<hbm>> -> memref<2x80xi32, #tpu.memory_space<hbm>>
    %dma_start3A_189 = tpu.memref_slice %arg10[%dma_start3A_180] : memref<6x!tpu.dma_semaphore, #tpu.memory_space<semaphore_mem>> -> memref<1x!tpu.dma_semaphore, #tpu.memory_space<semaphore_mem>>
    %dma_start3A_190 = tpu.memref_squeeze %dma_start3A_189 : memref<1x!tpu.dma_semaphore, #tpu.memory_space<semaphore_mem>> -> memref<!tpu.dma_semaphore, #tpu.memory_space<semaphore_mem>>
    %dma_start3A_191 = arith.constant 0 : i32
    %dma_start3A_192 = arith.constant 0 : i32
    %dma_start3A_193 = tpu.memref_slice %arg6[%dma_start3A_179, %dma_start3A_191, %dma_start3A_192] : memref<6x2x80xi32, #tpu.memory_space<vmem>> -> memref<1x2x80xi32, #tpu.memory_space<vmem>>
    %dma_start3A_194 = tpu.memref_squeeze %dma_start3A_193 : memref<1x2x80xi32, #tpu.memory_space<vmem>> -> memref<2x80xi32, #tpu.memory_space<vmem>>
    %dma_start3A_195 = arith.constant 0 : i32
    %dma_start3A_196 = arith.constant 0 : i32
    %dma_start3A_197 = tpu.memref_slice %arg2[%arg0, %arg1, %dma_start3A_178, %dma_start3A_195, %dma_start3A_196] : memref<2x16x250x2x80xi32, #tpu.memory_space<hbm>> -> memref<1x1x1x2x80xi32, #tpu.memory_space<hbm>>
    %dma_start3A_198 = tpu.memref_squeeze %dma_start3A_197 : memref<1x1x1x2x80xi32, #tpu.memory_space<hbm>> -> memref<2x80xi32, #tpu.memory_space<hbm>>
    tpu.enqueue_dma source(%dma_start3A_198 : memref<2x80xi32, #tpu.memory_space<hbm>>) target(%dma_start3A_194 : memref<2x80xi32, #tpu.memory_space<vmem>>) target_semaphore(%dma_start3A_190 : memref<!tpu.dma_semaphore, #tpu.memory_space<semaphore_mem>>)
    %dma_start3A_199 = arith.constant 3 : i32
    %dma_start3A_200 = arith.constant 3 : i32
    %dma_start3A_201 = arith.constant 3 : i32
    %dma_start3A_202 = arith.constant 0 : i32
    %dma_start3A_203 = tpu.memref_slice %arg7[%dma_start3A_200, %dma_start3A_202] : memref<6x96xf32, #tpu.memory_space<vmem>> -> memref<1x80xf32, #tpu.memory_space<vmem>>
    %dma_start3A_204 = tpu.memref_squeeze %dma_start3A_203 : memref<1x80xf32, #tpu.memory_space<vmem>> -> memref<80xf32, #tpu.memory_space<vmem>>
    %dma_start3A_205 = arith.constant 0 : i32
    %dma_start3A_206 = tpu.memref_slice %arg3[%arg0, %arg1, %dma_start3A_199, %dma_start3A_205] : memref<2x16x250x80xf32, #tpu.memory_space<hbm>> -> memref<1x1x1x80xf32, #tpu.memory_space<hbm>>
    %dma_start3A_207 = tpu.memref_squeeze %dma_start3A_206 : memref<1x1x1x80xf32, #tpu.memory_space<hbm>> -> memref<80xf32, #tpu.memory_space<hbm>>
    %dma_start3A_208 = tpu.memref_slice %arg10[%dma_start3A_201] : memref<6x!tpu.dma_semaphore, #tpu.memory_space<semaphore_mem>> -> memref<1x!tpu.dma_semaphore, #tpu.memory_space<semaphore_mem>>
    %dma_start3A_209 = tpu.memref_squeeze %dma_start3A_208 : memref<1x!tpu.dma_semaphore, #tpu.memory_space<semaphore_mem>> -> memref<!tpu.dma_semaphore, #tpu.memory_space<semaphore_mem>>
    %dma_start3A_210 = arith.constant 0 : i32
    %dma_start3A_211 = tpu.memref_slice %arg7[%dma_start3A_200, %dma_start3A_210] : memref<6x96xf32, #tpu.memory_space<vmem>> -> memref<1x80xf32, #tpu.memory_space<vmem>>
    %dma_start3A_212 = tpu.memref_squeeze %dma_start3A_211 : memref<1x80xf32, #tpu.memory_space<vmem>> -> memref<80xf32, #tpu.memory_space<vmem>>
    %dma_start3A_213 = arith.constant 0 : i32
    %dma_start3A_214 = tpu.memref_slice %arg3[%arg0, %arg1, %dma_start3A_199, %dma_start3A_213] : memref<2x16x250x80xf32, #tpu.memory_space<hbm>> -> memref<1x1x1x80xf32, #tpu.memory_space<hbm>>
    %dma_start3A_215 = tpu.memref_squeeze %dma_start3A_214 : memref<1x1x1x80xf32, #tpu.memory_space<hbm>> -> memref<80xf32, #tpu.memory_space<hbm>>
    tpu.enqueue_dma source(%dma_start3A_215 : memref<80xf32, #tpu.memory_space<hbm>>) target(%dma_start3A_212 : memref<80xf32, #tpu.memory_space<vmem>>) target_semaphore(%dma_start3A_209 : memref<!tpu.dma_semaphore, #tpu.memory_space<semaphore_mem>>)
    %dma_wait3A_216 = arith.constant 2 : i32
    %dma_wait3A_217 = arith.constant 2 : i32
    %dma_wait3A_218 = arith.constant 2 : i32
    %dma_wait3A_219 = arith.constant 0 : i32
    %dma_wait3A_220 = arith.constant 0 : i32
    %dma_wait3A_221 = tpu.memref_slice %arg6[%dma_wait3A_217, %dma_wait3A_219, %dma_wait3A_220] : memref<6x2x80xi32, #tpu.memory_space<vmem>> -> memref<1x2x80xi32, #tpu.memory_space<vmem>>
    %dma_wait3A_222 = tpu.memref_squeeze %dma_wait3A_221 : memref<1x2x80xi32, #tpu.memory_space<vmem>> -> memref<2x80xi32, #tpu.memory_space<vmem>>
    %dma_wait3A_223 = arith.constant 0 : i32
    %dma_wait3A_224 = arith.constant 0 : i32
    %dma_wait3A_225 = tpu.memref_slice %arg2[%arg0, %arg1, %dma_wait3A_216, %dma_wait3A_223, %dma_wait3A_224] : memref<2x16x250x2x80xi32, #tpu.memory_space<hbm>> -> memref<1x1x1x2x80xi32, #tpu.memory_space<hbm>>
    %dma_wait3A_226 = tpu.memref_squeeze %dma_wait3A_225 : memref<1x1x1x2x80xi32, #tpu.memory_space<hbm>> -> memref<2x80xi32, #tpu.memory_space<hbm>>
    %dma_wait3A_227 = tpu.memref_slice %arg10[%dma_wait3A_218] : memref<6x!tpu.dma_semaphore, #tpu.memory_space<semaphore_mem>> -> memref<1x!tpu.dma_semaphore, #tpu.memory_space<semaphore_mem>>
    %dma_wait3A_228 = tpu.memref_squeeze %dma_wait3A_227 : memref<1x!tpu.dma_semaphore, #tpu.memory_space<semaphore_mem>> -> memref<!tpu.dma_semaphore, #tpu.memory_space<semaphore_mem>>
    %dma_wait3A_229 = arith.constant 0 : i32
    %dma_wait3A_230 = arith.constant 0 : i32
    %dma_wait3A_231 = tpu.memref_slice %arg6[%dma_wait3A_217, %dma_wait3A_229, %dma_wait3A_230] : memref<6x2x80xi32, #tpu.memory_space<vmem>> -> memref<1x2x80xi32, #tpu.memory_space<vmem>>
    %dma_wait3A_232 = tpu.memref_squeeze %dma_wait3A_231 : memref<1x2x80xi32, #tpu.memory_space<vmem>> -> memref<2x80xi32, #tpu.memory_space<vmem>>
    %dma_wait3A_233 = arith.constant 0 : i32
    %dma_wait3A_234 = arith.constant 0 : i32
    %dma_wait3A_235 = tpu.memref_slice %arg2[%arg0, %arg1, %dma_wait3A_216, %dma_wait3A_233, %dma_wait3A_234] : memref<2x16x250x2x80xi32, #tpu.memory_space<hbm>> -> memref<1x1x1x2x80xi32, #tpu.memory_space<hbm>>
    %dma_wait3A_236 = tpu.memref_squeeze %dma_wait3A_235 : memref<1x1x1x2x80xi32, #tpu.memory_space<hbm>> -> memref<2x80xi32, #tpu.memory_space<hbm>>
    tpu.wait_dma2 semaphore(%dma_wait3A_228 : memref<!tpu.dma_semaphore, #tpu.memory_space<semaphore_mem>>) src(%dma_wait3A_236 : memref<2x80xi32, #tpu.memory_space<hbm>>) dst(%dma_wait3A_232 : memref<2x80xi32, #tpu.memory_space<vmem>>)
    %dma_wait3A_237 = arith.constant 2 : i32
    %dma_wait3A_238 = arith.constant 2 : i32
    %dma_wait3A_239 = arith.constant 2 : i32
    %dma_wait3A_240 = arith.constant 0 : i32
    %dma_wait3A_241 = tpu.memref_slice %arg7[%dma_wait3A_238, %dma_wait3A_240] : memref<6x96xf32, #tpu.memory_space<vmem>> -> memref<1x80xf32, #tpu.memory_space<vmem>>
    %dma_wait3A_242 = tpu.memref_squeeze %dma_wait3A_241 : memref<1x80xf32, #tpu.memory_space<vmem>> -> memref<80xf32, #tpu.memory_space<vmem>>
    %dma_wait3A_243 = arith.constant 0 : i32
    %dma_wait3A_244 = tpu.memref_slice %arg3[%arg0, %arg1, %dma_wait3A_237, %dma_wait3A_243] : memref<2x16x250x80xf32, #tpu.memory_space<hbm>> -> memref<1x1x1x80xf32, #tpu.memory_space<hbm>>
    %dma_wait3A_245 = tpu.memref_squeeze %dma_wait3A_244 : memref<1x1x1x80xf32, #tpu.memory_space<hbm>> -> memref<80xf32, #tpu.memory_space<hbm>>
    %dma_wait3A_246 = tpu.memref_slice %arg10[%dma_wait3A_239] : memref<6x!tpu.dma_semaphore, #tpu.memory_space<semaphore_mem>> -> memref<1x!tpu.dma_semaphore, #tpu.memory_space<semaphore_mem>>
    %dma_wait3A_247 = tpu.memref_squeeze %dma_wait3A_246 : memref<1x!tpu.dma_semaphore, #tpu.memory_space<semaphore_mem>> -> memref<!tpu.dma_semaphore, #tpu.memory_space<semaphore_mem>>
    %dma_wait3A_248 = arith.constant 0 : i32
    %dma_wait3A_249 = tpu.memref_slice %arg7[%dma_wait3A_238, %dma_wait3A_248] : memref<6x96xf32, #tpu.memory_space<vmem>> -> memref<1x80xf32, #tpu.memory_space<vmem>>
    %dma_wait3A_250 = tpu.memref_squeeze %dma_wait3A_249 : memref<1x80xf32, #tpu.memory_space<vmem>> -> memref<80xf32, #tpu.memory_space<vmem>>
    %dma_wait3A_251 = arith.constant 0 : i32
    %dma_wait3A_252 = tpu.memref_slice %arg3[%arg0, %arg1, %dma_wait3A_237, %dma_wait3A_251] : memref<2x16x250x80xf32, #tpu.memory_space<hbm>> -> memref<1x1x1x80xf32, #tpu.memory_space<hbm>>
    %dma_wait3A_253 = tpu.memref_squeeze %dma_wait3A_252 : memref<1x1x1x80xf32, #tpu.memory_space<hbm>> -> memref<80xf32, #tpu.memory_space<hbm>>
    tpu.wait_dma2 semaphore(%dma_wait3A_247 : memref<!tpu.dma_semaphore, #tpu.memory_space<semaphore_mem>>) src(%dma_wait3A_253 : memref<80xf32, #tpu.memory_space<hbm>>) dst(%dma_wait3A_250 : memref<80xf32, #tpu.memory_space<vmem>>)
    %dma_start3A_254 = arith.constant 2 : i32
    %dma_start3A_255 = arith.constant 0 : i32
    %dma_start3A_256 = arith.constant 2 : i32
    %dma_start3A_257 = arith.constant 2 : i32
    %dma_start3A_258 = arith.constant 0 : i32
    %dma_start3A_259 = arith.constant 0 : i32
    %dma_start3A_260 = tpu.memref_slice %arg8[%dma_start3A_256, %dma_start3A_258, %dma_start3A_259] : memref<4x80x128xf32, #tpu.memory_space<vmem>> -> memref<1x80x128xf32, #tpu.memory_space<vmem>>
    %dma_start3A_261 = tpu.memref_squeeze %dma_start3A_260 : memref<1x80x128xf32, #tpu.memory_space<vmem>> -> memref<80x128xf32, #tpu.memory_space<vmem>>
    %dma_start3A_262 = arith.constant 0 : i32
    %dma_start3A_263 = tpu.memref_slice %arg6[%dma_start3A_254, %dma_start3A_255, %dma_start3A_262] : memref<6x2x80xi32, #tpu.memory_space<vmem>> -> memref<1x1x80xi32, #tpu.memory_space<vmem>>
    %dma_start3A_264 = tpu.memref_squeeze %dma_start3A_263 : memref<1x1x80xi32, #tpu.memory_space<vmem>> -> memref<80xi32, #tpu.memory_space<vmem>>
    %dma_start3A_265 = arith.constant 0 : i32
    %dma_start3A_266 = arith.constant 0 : i32
    %dma_start3A_267 = tpu.memref_slice %arg4[%dma_start3A_265, %dma_start3A_266] : memref<20000x128xf32, #tpu.memory_space<hbm>> -> memref<20000x128xf32, #tpu.memory_space<hbm>>
    %dma_start3A_268 = tpu.memref_slice %arg11[%dma_start3A_257] : memref<4x!tpu.dma_semaphore, #tpu.memory_space<semaphore_mem>> -> memref<1x!tpu.dma_semaphore, #tpu.memory_space<semaphore_mem>>
    %dma_start3A_269 = tpu.memref_squeeze %dma_start3A_268 : memref<1x!tpu.dma_semaphore, #tpu.memory_space<semaphore_mem>> -> memref<!tpu.dma_semaphore, #tpu.memory_space<semaphore_mem>>
    tpu.enqueue_indirect_dma source(%dma_start3A_267 : memref<20000x128xf32, #tpu.memory_space<hbm>>) target(%dma_start3A_261 : memref<80x128xf32, #tpu.memory_space<vmem>>) offsets(%dma_start3A_264 : memref<80xi32, #tpu.memory_space<vmem>>) semaphore(%dma_start3A_269 : memref<!tpu.dma_semaphore, #tpu.memory_space<semaphore_mem>>)
    %scan3A_270 = arith.constant 0 : i32
    %scan3A_271 = arith.constant 0 : i32
    %scan3A_272 = arith.constant 250 : i32
    %scan3A_273 = arith.addi %scan3A_271, %scan3A_272 : i32
    %scan3A_274 = arith.constant 1 : i32
    scf.for %scan3A_282 = %scan3A_271 to %scan3A_273 step %scan3A_274  : i32 {
      %rem3A = arith.constant 4 : i32
      %rem3A_283 = arith.remsi %scan3A_282, %rem3A : i32
      %add3A_284 = arith.constant 3 : i32
      %add3A_285 = arith.addi %scan3A_282, %add3A_284 : i32
      %rem3A_286 = arith.constant 4 : i32
      %rem3A_287 = arith.remsi %add3A_285, %rem3A_286 : i32
      %rem3A_288 = arith.constant 6 : i32
      %rem3A_289 = arith.remsi %scan3A_282, %rem3A_288 : i32
      %add3A_290 = arith.constant 3 : i32
      %add3A_291 = arith.addi %scan3A_282, %add3A_290 : i32
      %rem3A_292 = arith.constant 6 : i32
      %rem3A_293 = arith.remsi %add3A_291, %rem3A_292 : i32
      %add3A_294 = arith.constant 4 : i32
      %add3A_295 = arith.addi %scan3A_282, %add3A_294 : i32
      %rem3A_296 = arith.constant 6 : i32
      %rem3A_297 = arith.remsi %add3A_295, %rem3A_296 : i32
      %dma_wait3A_298 = arith.constant 0 : i32
      %dma_wait3A_299 = arith.constant 0 : i32
      %dma_wait3A_300 = arith.constant 0 : i32
      %dma_wait3A_301 = tpu.memref_slice %arg8[%rem3A_283, %dma_wait3A_299, %dma_wait3A_300] : memref<4x80x128xf32, #tpu.memory_space<vmem>> -> memref<1x80x128xf32, #tpu.memory_space<vmem>>
      %dma_wait3A_302 = tpu.memref_squeeze %dma_wait3A_301 : memref<1x80x128xf32, #tpu.memory_space<vmem>> -> memref<80x128xf32, #tpu.memory_space<vmem>>
      %dma_wait3A_303 = arith.constant 0 : i32
      %dma_wait3A_304 = tpu.memref_slice %arg6[%rem3A_289, %dma_wait3A_298, %dma_wait3A_303] : memref<6x2x80xi32, #tpu.memory_space<vmem>> -> memref<1x1x80xi32, #tpu.memory_space<vmem>>
      %dma_wait3A_305 = tpu.memref_squeeze %dma_wait3A_304 : memref<1x1x80xi32, #tpu.memory_space<vmem>> -> memref<80xi32, #tpu.memory_space<vmem>>
      %dma_wait3A_306 = arith.constant 0 : i32
      %dma_wait3A_307 = arith.constant 0 : i32
      %dma_wait3A_308 = tpu.memref_slice %arg4[%dma_wait3A_306, %dma_wait3A_307] : memref<20000x128xf32, #tpu.memory_space<hbm>> -> memref<20000x128xf32, #tpu.memory_space<hbm>>
      %dma_wait3A_309 = tpu.memref_slice %arg11[%rem3A_283] : memref<4x!tpu.dma_semaphore, #tpu.memory_space<semaphore_mem>> -> memref<1x!tpu.dma_semaphore, #tpu.memory_space<semaphore_mem>>
      %dma_wait3A_310 = tpu.memref_squeeze %dma_wait3A_309 : memref<1x!tpu.dma_semaphore, #tpu.memory_space<semaphore_mem>> -> memref<!tpu.dma_semaphore, #tpu.memory_space<semaphore_mem>>
      tpu.wait_indirect_dma semaphore(%dma_wait3A_310 : memref<!tpu.dma_semaphore, #tpu.memory_space<semaphore_mem>>) src(%dma_wait3A_308 : memref<20000x128xf32, #tpu.memory_space<hbm>>) dst(%dma_wait3A_302 : memref<80x128xf32, #tpu.memory_space<vmem>>)
      %lt3A = arith.constant 247 : i32
      %lt3A_311 = arith.cmpi slt, %scan3A_282, %lt3A : i32
      %convert_element_type3A_312 = arith.extui %lt3A_311 : i1 to i32
      %cond3A_313 = arith.constant 0 : i32
      %cond3A_314 = arith.cmpi ne, %convert_element_type3A_312, %cond3A_313 : i32
      scf.if %cond3A_314 {
        %add3A_323 = arith.constant 3 : i32
        %add3A_324 = arith.addi %scan3A_282, %add3A_323 : i32
        %dma_wait3A_325 = arith.constant 0 : i32
        %dma_wait3A_326 = arith.constant 0 : i32
        %dma_wait3A_327 = tpu.memref_slice %arg6[%rem3A_293, %dma_wait3A_325, %dma_wait3A_326] : memref<6x2x80xi32, #tpu.memory_space<vmem>> -> memref<1x2x80xi32, #tpu.memory_space<vmem>>
        %dma_wait3A_328 = tpu.memref_squeeze %dma_wait3A_327 : memref<1x2x80xi32, #tpu.memory_space<vmem>> -> memref<2x80xi32, #tpu.memory_space<vmem>>
        %dma_wait3A_329 = arith.constant 0 : i32
        %dma_wait3A_330 = arith.constant 0 : i32
        %dma_wait3A_331 = tpu.memref_slice %arg2[%arg0, %arg1, %add3A_324, %dma_wait3A_329, %dma_wait3A_330] : memref<2x16x250x2x80xi32, #tpu.memory_space<hbm>> -> memref<1x1x1x2x80xi32, #tpu.memory_space<hbm>>
        %dma_wait3A_332 = tpu.memref_squeeze %dma_wait3A_331 : memref<1x1x1x2x80xi32, #tpu.memory_space<hbm>> -> memref<2x80xi32, #tpu.memory_space<hbm>>
        %dma_wait3A_333 = tpu.memref_slice %arg10[%rem3A_293] : memref<6x!tpu.dma_semaphore, #tpu.memory_space<semaphore_mem>> -> memref<1x!tpu.dma_semaphore, #tpu.memory_space<semaphore_mem>>
        %dma_wait3A_334 = tpu.memref_squeeze %dma_wait3A_333 : memref<1x!tpu.dma_semaphore, #tpu.memory_space<semaphore_mem>> -> memref<!tpu.dma_semaphore, #tpu.memory_space<semaphore_mem>>
        %dma_wait3A_335 = arith.constant 0 : i32
        %dma_wait3A_336 = arith.constant 0 : i32
        %dma_wait3A_337 = tpu.memref_slice %arg6[%rem3A_293, %dma_wait3A_335, %dma_wait3A_336] : memref<6x2x80xi32, #tpu.memory_space<vmem>> -> memref<1x2x80xi32, #tpu.memory_space<vmem>>
        %dma_wait3A_338 = tpu.memref_squeeze %dma_wait3A_337 : memref<1x2x80xi32, #tpu.memory_space<vmem>> -> memref<2x80xi32, #tpu.memory_space<vmem>>
        %dma_wait3A_339 = arith.constant 0 : i32
        %dma_wait3A_340 = arith.constant 0 : i32
        %dma_wait3A_341 = tpu.memref_slice %arg2[%arg0, %arg1, %add3A_324, %dma_wait3A_339, %dma_wait3A_340] : memref<2x16x250x2x80xi32, #tpu.memory_space<hbm>> -> memref<1x1x1x2x80xi32, #tpu.memory_space<hbm>>
        %dma_wait3A_342 = tpu.memref_squeeze %dma_wait3A_341 : memref<1x1x1x2x80xi32, #tpu.memory_space<hbm>> -> memref<2x80xi32, #tpu.memory_space<hbm>>
        tpu.wait_dma2 semaphore(%dma_wait3A_334 : memref<!tpu.dma_semaphore, #tpu.memory_space<semaphore_mem>>) src(%dma_wait3A_342 : memref<2x80xi32, #tpu.memory_space<hbm>>) dst(%dma_wait3A_338 : memref<2x80xi32, #tpu.memory_space<vmem>>)
        %add3A_343 = arith.constant 3 : i32
        %add3A_344 = arith.addi %scan3A_282, %add3A_343 : i32
        %dma_wait3A_345 = arith.constant 0 : i32
        %dma_wait3A_346 = tpu.memref_slice %arg7[%rem3A_293, %dma_wait3A_345] : memref<6x96xf32, #tpu.memory_space<vmem>> -> memref<1x80xf32, #tpu.memory_space<vmem>>
        %dma_wait3A_347 = tpu.memref_squeeze %dma_wait3A_346 : memref<1x80xf32, #tpu.memory_space<vmem>> -> memref<80xf32, #tpu.memory_space<vmem>>
        %dma_wait3A_348 = arith.constant 0 : i32
        %dma_wait3A_349 = tpu.memref_slice %arg3[%arg0, %arg1, %add3A_344, %dma_wait3A_348] : memref<2x16x250x80xf32, #tpu.memory_space<hbm>> -> memref<1x1x1x80xf32, #tpu.memory_space<hbm>>
        %dma_wait3A_350 = tpu.memref_squeeze %dma_wait3A_349 : memref<1x1x1x80xf32, #tpu.memory_space<hbm>> -> memref<80xf32, #tpu.memory_space<hbm>>
        %dma_wait3A_351 = tpu.memref_slice %arg10[%rem3A_293] : memref<6x!tpu.dma_semaphore, #tpu.memory_space<semaphore_mem>> -> memref<1x!tpu.dma_semaphore, #tpu.memory_space<semaphore_mem>>
        %dma_wait3A_352 = tpu.memref_squeeze %dma_wait3A_351 : memref<1x!tpu.dma_semaphore, #tpu.memory_space<semaphore_mem>> -> memref<!tpu.dma_semaphore, #tpu.memory_space<semaphore_mem>>
        %dma_wait3A_353 = arith.constant 0 : i32
        %dma_wait3A_354 = tpu.memref_slice %arg7[%rem3A_293, %dma_wait3A_353] : memref<6x96xf32, #tpu.memory_space<vmem>> -> memref<1x80xf32, #tpu.memory_space<vmem>>
        %dma_wait3A_355 = tpu.memref_squeeze %dma_wait3A_354 : memref<1x80xf32, #tpu.memory_space<vmem>> -> memref<80xf32, #tpu.memory_space<vmem>>
        %dma_wait3A_356 = arith.constant 0 : i32
        %dma_wait3A_357 = tpu.memref_slice %arg3[%arg0, %arg1, %add3A_344, %dma_wait3A_356] : memref<2x16x250x80xf32, #tpu.memory_space<hbm>> -> memref<1x1x1x80xf32, #tpu.memory_space<hbm>>
        %dma_wait3A_358 = tpu.memref_squeeze %dma_wait3A_357 : memref<1x1x1x80xf32, #tpu.memory_space<hbm>> -> memref<80xf32, #tpu.memory_space<hbm>>
        tpu.wait_dma2 semaphore(%dma_wait3A_352 : memref<!tpu.dma_semaphore, #tpu.memory_space<semaphore_mem>>) src(%dma_wait3A_358 : memref<80xf32, #tpu.memory_space<hbm>>) dst(%dma_wait3A_355 : memref<80xf32, #tpu.memory_space<vmem>>)
        %dma_start3A_359 = arith.constant 0 : i32
        %dma_start3A_360 = arith.constant 0 : i32
        %dma_start3A_361 = arith.constant 0 : i32
        %dma_start3A_362 = tpu.memref_slice %arg8[%rem3A_287, %dma_start3A_360, %dma_start3A_361] : memref<4x80x128xf32, #tpu.memory_space<vmem>> -> memref<1x80x128xf32, #tpu.memory_space<vmem>>
        %dma_start3A_363 = tpu.memref_squeeze %dma_start3A_362 : memref<1x80x128xf32, #tpu.memory_space<vmem>> -> memref<80x128xf32, #tpu.memory_space<vmem>>
        %dma_start3A_364 = arith.constant 0 : i32
        %dma_start3A_365 = tpu.memref_slice %arg6[%rem3A_293, %dma_start3A_359, %dma_start3A_364] : memref<6x2x80xi32, #tpu.memory_space<vmem>> -> memref<1x1x80xi32, #tpu.memory_space<vmem>>
        %dma_start3A_366 = tpu.memref_squeeze %dma_start3A_365 : memref<1x1x80xi32, #tpu.memory_space<vmem>> -> memref<80xi32, #tpu.memory_space<vmem>>
        %dma_start3A_367 = arith.constant 0 : i32
        %dma_start3A_368 = arith.constant 0 : i32
        %dma_start3A_369 = tpu.memref_slice %arg4[%dma_start3A_367, %dma_start3A_368] : memref<20000x128xf32, #tpu.memory_space<hbm>> -> memref<20000x128xf32, #tpu.memory_space<hbm>>
        %dma_start3A_370 = tpu.memref_slice %arg11[%rem3A_287] : memref<4x!tpu.dma_semaphore, #tpu.memory_space<semaphore_mem>> -> memref<1x!tpu.dma_semaphore, #tpu.memory_space<semaphore_mem>>
        %dma_start3A_371 = tpu.memref_squeeze %dma_start3A_370 : memref<1x!tpu.dma_semaphore, #tpu.memory_space<semaphore_mem>> -> memref<!tpu.dma_semaphore, #tpu.memory_space<semaphore_mem>>
        tpu.enqueue_indirect_dma source(%dma_start3A_369 : memref<20000x128xf32, #tpu.memory_space<hbm>>) target(%dma_start3A_363 : memref<80x128xf32, #tpu.memory_space<vmem>>) offsets(%dma_start3A_366 : memref<80xi32, #tpu.memory_space<vmem>>) semaphore(%dma_start3A_371 : memref<!tpu.dma_semaphore, #tpu.memory_space<semaphore_mem>>)
      } else {
      }
      %lt3A_315 = arith.constant 246 : i32
      %lt3A_316 = arith.cmpi slt, %scan3A_282, %lt3A_315 : i32
      %convert_element_type3A_317 = arith.extui %lt3A_316 : i1 to i32
      %cond3A_318 = arith.constant 0 : i32
      %cond3A_319 = arith.cmpi ne, %convert_element_type3A_317, %cond3A_318 : i32
      scf.if %cond3A_319 {
        %add3A_323 = arith.constant 4 : i32
        %add3A_324 = arith.addi %scan3A_282, %add3A_323 : i32
        %dma_start3A_325 = arith.constant 0 : i32
        %dma_start3A_326 = arith.constant 0 : i32
        %dma_start3A_327 = tpu.memref_slice %arg6[%rem3A_297, %dma_start3A_325, %dma_start3A_326] : memref<6x2x80xi32, #tpu.memory_space<vmem>> -> memref<1x2x80xi32, #tpu.memory_space<vmem>>
        %dma_start3A_328 = tpu.memref_squeeze %dma_start3A_327 : memref<1x2x80xi32, #tpu.memory_space<vmem>> -> memref<2x80xi32, #tpu.memory_space<vmem>>
        %dma_start3A_329 = arith.constant 0 : i32
        %dma_start3A_330 = arith.constant 0 : i32
        %dma_start3A_331 = tpu.memref_slice %arg2[%arg0, %arg1, %add3A_324, %dma_start3A_329, %dma_start3A_330] : memref<2x16x250x2x80xi32, #tpu.memory_space<hbm>> -> memref<1x1x1x2x80xi32, #tpu.memory_space<hbm>>
        %dma_start3A_332 = tpu.memref_squeeze %dma_start3A_331 : memref<1x1x1x2x80xi32, #tpu.memory_space<hbm>> -> memref<2x80xi32, #tpu.memory_space<hbm>>
        %dma_start3A_333 = tpu.memref_slice %arg10[%rem3A_297] : memref<6x!tpu.dma_semaphore, #tpu.memory_space<semaphore_mem>> -> memref<1x!tpu.dma_semaphore, #tpu.memory_space<semaphore_mem>>
        %dma_start3A_334 = tpu.memref_squeeze %dma_start3A_333 : memref<1x!tpu.dma_semaphore, #tpu.memory_space<semaphore_mem>> -> memref<!tpu.dma_semaphore, #tpu.memory_space<semaphore_mem>>
        %dma_start3A_335 = arith.constant 0 : i32
        %dma_start3A_336 = arith.constant 0 : i32
        %dma_start3A_337 = tpu.memref_slice %arg6[%rem3A_297, %dma_start3A_335, %dma_start3A_336] : memref<6x2x80xi32, #tpu.memory_space<vmem>> -> memref<1x2x80xi32, #tpu.memory_space<vmem>>
        %dma_start3A_338 = tpu.memref_squeeze %dma_start3A_337 : memref<1x2x80xi32, #tpu.memory_space<vmem>> -> memref<2x80xi32, #tpu.memory_space<vmem>>
        %dma_start3A_339 = arith.constant 0 : i32
        %dma_start3A_340 = arith.constant 0 : i32
        %dma_start3A_341 = tpu.memref_slice %arg2[%arg0, %arg1, %add3A_324, %dma_start3A_339, %dma_start3A_340] : memref<2x16x250x2x80xi32, #tpu.memory_space<hbm>> -> memref<1x1x1x2x80xi32, #tpu.memory_space<hbm>>
        %dma_start3A_342 = tpu.memref_squeeze %dma_start3A_341 : memref<1x1x1x2x80xi32, #tpu.memory_space<hbm>> -> memref<2x80xi32, #tpu.memory_space<hbm>>
        tpu.enqueue_dma source(%dma_start3A_342 : memref<2x80xi32, #tpu.memory_space<hbm>>) target(%dma_start3A_338 : memref<2x80xi32, #tpu.memory_space<vmem>>) target_semaphore(%dma_start3A_334 : memref<!tpu.dma_semaphore, #tpu.memory_space<semaphore_mem>>)
        %add3A_343 = arith.constant 4 : i32
        %add3A_344 = arith.addi %scan3A_282, %add3A_343 : i32
        %dma_start3A_345 = arith.constant 0 : i32
        %dma_start3A_346 = tpu.memref_slice %arg7[%rem3A_297, %dma_start3A_345] : memref<6x96xf32, #tpu.memory_space<vmem>> -> memref<1x80xf32, #tpu.memory_space<vmem>>
        %dma_start3A_347 = tpu.memref_squeeze %dma_start3A_346 : memref<1x80xf32, #tpu.memory_space<vmem>> -> memref<80xf32, #tpu.memory_space<vmem>>
        %dma_start3A_348 = arith.constant 0 : i32
        %dma_start3A_349 = tpu.memref_slice %arg3[%arg0, %arg1, %add3A_344, %dma_start3A_348] : memref<2x16x250x80xf32, #tpu.memory_space<hbm>> -> memref<1x1x1x80xf32, #tpu.memory_space<hbm>>
        %dma_start3A_350 = tpu.memref_squeeze %dma_start3A_349 : memref<1x1x1x80xf32, #tpu.memory_space<hbm>> -> memref<80xf32, #tpu.memory_space<hbm>>
        %dma_start3A_351 = tpu.memref_slice %arg10[%rem3A_297] : memref<6x!tpu.dma_semaphore, #tpu.memory_space<semaphore_mem>> -> memref<1x!tpu.dma_semaphore, #tpu.memory_space<semaphore_mem>>
        %dma_start3A_352 = tpu.memref_squeeze %dma_start3A_351 : memref<1x!tpu.dma_semaphore, #tpu.memory_space<semaphore_mem>> -> memref<!tpu.dma_semaphore, #tpu.memory_space<semaphore_mem>>
        %dma_start3A_353 = arith.constant 0 : i32
        %dma_start3A_354 = tpu.memref_slice %arg7[%rem3A_297, %dma_start3A_353] : memref<6x96xf32, #tpu.memory_space<vmem>> -> memref<1x80xf32, #tpu.memory_space<vmem>>
        %dma_start3A_355 = tpu.memref_squeeze %dma_start3A_354 : memref<1x80xf32, #tpu.memory_space<vmem>> -> memref<80xf32, #tpu.memory_space<vmem>>
        %dma_start3A_356 = arith.constant 0 : i32
        %dma_start3A_357 = tpu.memref_slice %arg3[%arg0, %arg1, %add3A_344, %dma_start3A_356] : memref<2x16x250x80xf32, #tpu.memory_space<hbm>> -> memref<1x1x1x80xf32, #tpu.memory_space<hbm>>
        %dma_start3A_358 = tpu.memref_squeeze %dma_start3A_357 : memref<1x1x1x80xf32, #tpu.memory_space<hbm>> -> memref<80xf32, #tpu.memory_space<hbm>>
        tpu.enqueue_dma source(%dma_start3A_358 : memref<80xf32, #tpu.memory_space<hbm>>) target(%dma_start3A_355 : memref<80xf32, #tpu.memory_space<vmem>>) target_semaphore(%dma_start3A_352 : memref<!tpu.dma_semaphore, #tpu.memory_space<semaphore_mem>>)
      } else {
      }
      %parallel_loop3A = arith.constant 0 : i32
      %parallel_loop3A_320 = arith.constant 80 : i32
      %parallel_loop3A_321 = arith.constant 1 : i32
      scf.for %parallel_loop3A_323 = %parallel_loop3A to %parallel_loop3A_320 step %parallel_loop3A_321  : i32 {
        %parallel_loop3A_324 = arith.index_cast %rem3A_289 : i32 to index
        %parallel_loop3A_325 = arith.index_cast %parallel_loop3A_323 : i32 to index
        %parallel_loop3A_326 = tpu.vector_load %arg7[%parallel_loop3A_324, %parallel_loop3A_325] {strides = array<i32>} : memref<6x96xf32, #tpu.memory_space<vmem>>, vector<1x16xf32>,
        %parallel_loop3A_327 = vector.shape_cast %parallel_loop3A_326 : vector<1x16xf32> to vector<16xf32>
        %parallel_loop3A_328 = vector.extract_strided_slice %parallel_loop3A_327 {offsets = [0], sizes = [1], strides = [1]} : vector<16xf32> to vector<1xf32>
        %parallel_loop3A_329 = vector.extract %parallel_loop3A_328[0] : f32 from vector<1xf32>
        %parallel_loop3A_330 = arith.index_cast %rem3A_283 : i32 to index
        %parallel_loop3A_331 = arith.index_cast %parallel_loop3A_323 : i32 to index
        %parallel_loop3A_332 = arith.constant 0 : index
        %parallel_loop3A_333 = tpu.vector_load %arg8[%parallel_loop3A_330, %parallel_loop3A_331, %parallel_loop3A_332] {strides = array<i32>} : memref<4x80x128xf32, #tpu.memory_space<vmem>>, vector<1x1x16xf32>,
        %parallel_loop3A_334 = vector.shape_cast %parallel_loop3A_333 : vector<1x1x16xf32> to vector<16xf32>
        %parallel_loop3A_335 = vector.broadcast %parallel_loop3A_329 : f32 to vector<16xf32>
        %parallel_loop3A_336 = arith.mulf %parallel_loop3A_334, %parallel_loop3A_335 : vector<16xf32>
        %parallel_loop3A_337 = arith.index_cast %rem3A_283 : i32 to index
        %parallel_loop3A_338 = arith.index_cast %parallel_loop3A_323 : i32 to index
        %parallel_loop3A_339 = arith.constant 0 : index
        %parallel_loop3A_340 = tpu.vector_load %arg8[%parallel_loop3A_337, %parallel_loop3A_338, %parallel_loop3A_339] {strides = array<i32>} : memref<4x80x128xf32, #tpu.memory_space<vmem>>, vector<1x1x16xf32>,
        %parallel_loop3A_341 = vector.shape_cast %parallel_loop3A_340 : vector<1x1x16xf32> to vector<16xf32>
        %parallel_loop3A_342 = vector.shape_cast %parallel_loop3A_336 : vector<16xf32> to vector<1x1x16xf32>
        tpu.vector_store %arg8[%parallel_loop3A_337, %parallel_loop3A_338, %parallel_loop3A_339], %parallel_loop3A_342 {strides = array<i32>} : memref<4x80x128xf32, #tpu.memory_space<vmem>>, vector<1x1x16xf32>,
        %parallel_loop3A_343 = arith.index_cast %rem3A_283 : i32 to index
        %parallel_loop3A_344 = arith.index_cast %parallel_loop3A_323 : i32 to index
        %parallel_loop3A_345 = arith.constant 16 : index
        %parallel_loop3A_346 = tpu.vector_load %arg8[%parallel_loop3A_343, %parallel_loop3A_344, %parallel_loop3A_345] {strides = array<i32>} : memref<4x80x128xf32, #tpu.memory_space<vmem>>, vector<1x1x16xf32>,
        %parallel_loop3A_347 = vector.shape_cast %parallel_loop3A_346 : vector<1x1x16xf32> to vector<16xf32>
        %parallel_loop3A_348 = vector.broadcast %parallel_loop3A_329 : f32 to vector<16xf32>
        %parallel_loop3A_349 = arith.mulf %parallel_loop3A_347, %parallel_loop3A_348 : vector<16xf32>
        %parallel_loop3A_350 = arith.index_cast %rem3A_283 : i32 to index
        %parallel_loop3A_351 = arith.index_cast %parallel_loop3A_323 : i32 to index
        %parallel_loop3A_352 = arith.constant 16 : index
        %parallel_loop3A_353 = tpu.vector_load %arg8[%parallel_loop3A_350, %parallel_loop3A_351, %parallel_loop3A_352] {strides = array<i32>} : memref<4x80x128xf32, #tpu.memory_space<vmem>>, vector<1x1x16xf32>,
        %parallel_loop3A_354 = vector.shape_cast %parallel_loop3A_353 : vector<1x1x16xf32> to vector<16xf32>
        %parallel_loop3A_355 = vector.shape_cast %parallel_loop3A_349 : vector<16xf32> to vector<1x1x16xf32>
        tpu.vector_store %arg8[%parallel_loop3A_350, %parallel_loop3A_351, %parallel_loop3A_352], %parallel_loop3A_355 {strides = array<i32>} : memref<4x80x128xf32, #tpu.memory_space<vmem>>, vector<1x1x16xf32>,
        %parallel_loop3A_356 = arith.index_cast %rem3A_283 : i32 to index
        %parallel_loop3A_357 = arith.index_cast %parallel_loop3A_323 : i32 to index
        %parallel_loop3A_358 = arith.constant 32 : index
        %parallel_loop3A_359 = tpu.vector_load %arg8[%parallel_loop3A_356, %parallel_loop3A_357, %parallel_loop3A_358] {strides = array<i32>} : memref<4x80x128xf32, #tpu.memory_space<vmem>>, vector<1x1x16xf32>,
        %parallel_loop3A_360 = vector.shape_cast %parallel_loop3A_359 : vector<1x1x16xf32> to vector<16xf32>
        %parallel_loop3A_361 = vector.broadcast %parallel_loop3A_329 : f32 to vector<16xf32>
        %parallel_loop3A_362 = arith.mulf %parallel_loop3A_360, %parallel_loop3A_361 : vector<16xf32>
        %parallel_loop3A_363 = arith.index_cast %rem3A_283 : i32 to index
        %parallel_loop3A_364 = arith.index_cast %parallel_loop3A_323 : i32 to index
        %parallel_loop3A_365 = arith.constant 32 : index
        %parallel_loop3A_366 = tpu.vector_load %arg8[%parallel_loop3A_363, %parallel_loop3A_364, %parallel_loop3A_365] {strides = array<i32>} : memref<4x80x128xf32, #tpu.memory_space<vmem>>, vector<1x1x16xf32>,
        %parallel_loop3A_367 = vector.shape_cast %parallel_loop3A_366 : vector<1x1x16xf32> to vector<16xf32>
        %parallel_loop3A_368 = vector.shape_cast %parallel_loop3A_362 : vector<16xf32> to vector<1x1x16xf32>
        tpu.vector_store %arg8[%parallel_loop3A_363, %parallel_loop3A_364, %parallel_loop3A_365], %parallel_loop3A_368 {strides = array<i32>} : memref<4x80x128xf32, #tpu.memory_space<vmem>>, vector<1x1x16xf32>,
        %parallel_loop3A_369 = arith.index_cast %rem3A_283 : i32 to index
        %parallel_loop3A_370 = arith.index_cast %parallel_loop3A_323 : i32 to index
        %parallel_loop3A_371 = arith.constant 48 : index
        %parallel_loop3A_372 = tpu.vector_load %arg8[%parallel_loop3A_369, %parallel_loop3A_370, %parallel_loop3A_371] {strides = array<i32>} : memref<4x80x128xf32, #tpu.memory_space<vmem>>, vector<1x1x16xf32>,
        %parallel_loop3A_373 = vector.shape_cast %parallel_loop3A_372 : vector<1x1x16xf32> to vector<16xf32>
        %parallel_loop3A_374 = vector.broadcast %parallel_loop3A_329 : f32 to vector<16xf32>
        %parallel_loop3A_375 = arith.mulf %parallel_loop3A_373, %parallel_loop3A_374 : vector<16xf32>
        %parallel_loop3A_376 = arith.index_cast %rem3A_283 : i32 to index
        %parallel_loop3A_377 = arith.index_cast %parallel_loop3A_323 : i32 to index
        %parallel_loop3A_378 = arith.constant 48 : index
        %parallel_loop3A_379 = tpu.vector_load %arg8[%parallel_loop3A_376, %parallel_loop3A_377, %parallel_loop3A_378] {strides = array<i32>} : memref<4x80x128xf32, #tpu.memory_space<vmem>>, vector<1x1x16xf32>,
        %parallel_loop3A_380 = vector.shape_cast %parallel_loop3A_379 : vector<1x1x16xf32> to vector<16xf32>
        %parallel_loop3A_381 = vector.shape_cast %parallel_loop3A_375 : vector<16xf32> to vector<1x1x16xf32>
        tpu.vector_store %arg8[%parallel_loop3A_376, %parallel_loop3A_377, %parallel_loop3A_378], %parallel_loop3A_381 {strides = array<i32>} : memref<4x80x128xf32, #tpu.memory_space<vmem>>, vector<1x1x16xf32>,
        %parallel_loop3A_382 = arith.index_cast %rem3A_283 : i32 to index
        %parallel_loop3A_383 = arith.index_cast %parallel_loop3A_323 : i32 to index
        %parallel_loop3A_384 = arith.constant 64 : index
        %parallel_loop3A_385 = tpu.vector_load %arg8[%parallel_loop3A_382, %parallel_loop3A_383, %parallel_loop3A_384] {strides = array<i32>} : memref<4x80x128xf32, #tpu.memory_space<vmem>>, vector<1x1x16xf32>,
        %parallel_loop3A_386 = vector.shape_cast %parallel_loop3A_385 : vector<1x1x16xf32> to vector<16xf32>
        %parallel_loop3A_387 = vector.broadcast %parallel_loop3A_329 : f32 to vector<16xf32>
        %parallel_loop3A_388 = arith.mulf %parallel_loop3A_386, %parallel_loop3A_387 : vector<16xf32>
        %parallel_loop3A_389 = arith.index_cast %rem3A_283 : i32 to index
        %parallel_loop3A_390 = arith.index_cast %parallel_loop3A_323 : i32 to index
        %parallel_loop3A_391 = arith.constant 64 : index
        %parallel_loop3A_392 = tpu.vector_load %arg8[%parallel_loop3A_389, %parallel_loop3A_390, %parallel_loop3A_391] {strides = array<i32>} : memref<4x80x128xf32, #tpu.memory_space<vmem>>, vector<1x1x16xf32>,
        %parallel_loop3A_393 = vector.shape_cast %parallel_loop3A_392 : vector<1x1x16xf32> to vector<16xf32>
        %parallel_loop3A_394 = vector.shape_cast %parallel_loop3A_388 : vector<16xf32> to vector<1x1x16xf32>
        tpu.vector_store %arg8[%parallel_loop3A_389, %parallel_loop3A_390, %parallel_loop3A_391], %parallel_loop3A_394 {strides = array<i32>} : memref<4x80x128xf32, #tpu.memory_space<vmem>>, vector<1x1x16xf32>,
        %parallel_loop3A_395 = arith.index_cast %rem3A_283 : i32 to index
        %parallel_loop3A_396 = arith.index_cast %parallel_loop3A_323 : i32 to index
        %parallel_loop3A_397 = arith.constant 80 : index
        %parallel_loop3A_398 = tpu.vector_load %arg8[%parallel_loop3A_395, %parallel_loop3A_396, %parallel_loop3A_397] {strides = array<i32>} : memref<4x80x128xf32, #tpu.memory_space<vmem>>, vector<1x1x16xf32>,
        %parallel_loop3A_399 = vector.shape_cast %parallel_loop3A_398 : vector<1x1x16xf32> to vector<16xf32>
        %parallel_loop3A_400 = vector.broadcast %parallel_loop3A_329 : f32 to vector<16xf32>
        %parallel_loop3A_401 = arith.mulf %parallel_loop3A_399, %parallel_loop3A_400 : vector<16xf32>
        %parallel_loop3A_402 = arith.index_cast %rem3A_283 : i32 to index
        %parallel_loop3A_403 = arith.index_cast %parallel_loop3A_323 : i32 to index
        %parallel_loop3A_404 = arith.constant 80 : index
        %parallel_loop3A_405 = tpu.vector_load %arg8[%parallel_loop3A_402, %parallel_loop3A_403, %parallel_loop3A_404] {strides = array<i32>} : memref<4x80x128xf32, #tpu.memory_space<vmem>>, vector<1x1x16xf32>,
        %parallel_loop3A_406 = vector.shape_cast %parallel_loop3A_405 : vector<1x1x16xf32> to vector<16xf32>
        %parallel_loop3A_407 = vector.shape_cast %parallel_loop3A_401 : vector<16xf32> to vector<1x1x16xf32>
        tpu.vector_store %arg8[%parallel_loop3A_402, %parallel_loop3A_403, %parallel_loop3A_404], %parallel_loop3A_407 {strides = array<i32>} : memref<4x80x128xf32, #tpu.memory_space<vmem>>, vector<1x1x16xf32>,
        %parallel_loop3A_408 = arith.index_cast %rem3A_283 : i32 to index
        %parallel_loop3A_409 = arith.index_cast %parallel_loop3A_323 : i32 to index
        %parallel_loop3A_410 = arith.constant 96 : index
        %parallel_loop3A_411 = tpu.vector_load %arg8[%parallel_loop3A_408, %parallel_loop3A_409, %parallel_loop3A_410] {strides = array<i32>} : memref<4x80x128xf32, #tpu.memory_space<vmem>>, vector<1x1x16xf32>,
        %parallel_loop3A_412 = vector.shape_cast %parallel_loop3A_411 : vector<1x1x16xf32> to vector<16xf32>
        %parallel_loop3A_413 = vector.broadcast %parallel_loop3A_329 : f32 to vector<16xf32>
        %parallel_loop3A_414 = arith.mulf %parallel_loop3A_412, %parallel_loop3A_413 : vector<16xf32>
        %parallel_loop3A_415 = arith.index_cast %rem3A_283 : i32 to index
        %parallel_loop3A_416 = arith.index_cast %parallel_loop3A_323 : i32 to index
        %parallel_loop3A_417 = arith.constant 96 : index
        %parallel_loop3A_418 = tpu.vector_load %arg8[%parallel_loop3A_415, %parallel_loop3A_416, %parallel_loop3A_417] {strides = array<i32>} : memref<4x80x128xf32, #tpu.memory_space<vmem>>, vector<1x1x16xf32>,
        %parallel_loop3A_419 = vector.shape_cast %parallel_loop3A_418 : vector<1x1x16xf32> to vector<16xf32>
        %parallel_loop3A_420 = vector.shape_cast %parallel_loop3A_414 : vector<16xf32> to vector<1x1x16xf32>
        tpu.vector_store %arg8[%parallel_loop3A_415, %parallel_loop3A_416, %parallel_loop3A_417], %parallel_loop3A_420 {strides = array<i32>} : memref<4x80x128xf32, #tpu.memory_space<vmem>>, vector<1x1x16xf32>,
        %parallel_loop3A_421 = arith.index_cast %rem3A_283 : i32 to index
        %parallel_loop3A_422 = arith.index_cast %parallel_loop3A_323 : i32 to index
        %parallel_loop3A_423 = arith.constant 112 : index
        %parallel_loop3A_424 = tpu.vector_load %arg8[%parallel_loop3A_421, %parallel_loop3A_422, %parallel_loop3A_423] {strides = array<i32>} : memref<4x80x128xf32, #tpu.memory_space<vmem>>, vector<1x1x16xf32>,
        %parallel_loop3A_425 = vector.shape_cast %parallel_loop3A_424 : vector<1x1x16xf32> to vector<16xf32>
        %parallel_loop3A_426 = vector.broadcast %parallel_loop3A_329 : f32 to vector<16xf32>
        %parallel_loop3A_427 = arith.mulf %parallel_loop3A_425, %parallel_loop3A_426 : vector<16xf32>
        %parallel_loop3A_428 = arith.index_cast %rem3A_283 : i32 to index
        %parallel_loop3A_429 = arith.index_cast %parallel_loop3A_323 : i32 to index
        %parallel_loop3A_430 = arith.constant 112 : index
        %parallel_loop3A_431 = tpu.vector_load %arg8[%parallel_loop3A_428, %parallel_loop3A_429, %parallel_loop3A_430] {strides = array<i32>} : memref<4x80x128xf32, #tpu.memory_space<vmem>>, vector<1x1x16xf32>,
        %parallel_loop3A_432 = vector.shape_cast %parallel_loop3A_431 : vector<1x1x16xf32> to vector<16xf32>
        %parallel_loop3A_433 = vector.shape_cast %parallel_loop3A_427 : vector<16xf32> to vector<1x1x16xf32>
        tpu.vector_store %arg8[%parallel_loop3A_428, %parallel_loop3A_429, %parallel_loop3A_430], %parallel_loop3A_433 {strides = array<i32>} : memref<4x80x128xf32, #tpu.memory_space<vmem>>, vector<1x1x16xf32>,
      } {sc.loop_unroll_factor = 4 : i64, sc.parallel_access}
      %run_scoped3A_322 = arith.constant 1 : i32
      "tpu.region"() ({
        %run_scoped3A_323 = tpu.sem_alloc : memref<!tpu.dma_semaphore, #tpu.memory_space<semaphore_mem>>
        %dma_start3A_324 = arith.constant 0 : i32
        %dma_start3A_325 = arith.constant 0 : i32
        %dma_start3A_326 = tpu.memref_slice %arg8[%rem3A_283, %dma_start3A_324, %dma_start3A_325] : memref<4x80x128xf32, #tpu.memory_space<vmem>> -> memref<1x80x128xf32, #tpu.memory_space<vmem>>
        %dma_start3A_327 = tpu.memref_squeeze %dma_start3A_326 : memref<1x80x128xf32, #tpu.memory_space<vmem>> -> memref<80x128xf32, #tpu.memory_space<vmem>>
        %dma_start3A_328 = arith.constant 0 : i32
        %dma_start3A_329 = tpu.memref_slice %arg6[%rem3A_289, %run_scoped3A_322, %dma_start3A_328] : memref<6x2x80xi32, #tpu.memory_space<vmem>> -> memref<1x1x80xi32, #tpu.memory_space<vmem>>
        %dma_start3A_330 = tpu.memref_squeeze %dma_start3A_329 : memref<1x1x80xi32, #tpu.memory_space<vmem>> -> memref<80xi32, #tpu.memory_space<vmem>>
        %dma_start3A_331 = arith.constant 0 : i32
        %dma_start3A_332 = arith.constant 0 : i32
        %dma_start3A_333 = tpu.memref_slice %arg9[%dma_start3A_331, %dma_start3A_332] : memref<10000x128xf32, #tpu.memory_space<vmem_shared>> -> memref<10000x128xf32, #tpu.memory_space<vmem_shared>>
        tpu.enqueue_indirect_dma source(%dma_start3A_327 : memref<80x128xf32, #tpu.memory_space<vmem>>) target(%dma_start3A_333 : memref<10000x128xf32, #tpu.memory_space<vmem_shared>>) offsets(%dma_start3A_330 : memref<80xi32, #tpu.memory_space<vmem>>) semaphore(%run_scoped3A_323 : memref<!tpu.dma_semaphore, #tpu.memory_space<semaphore_mem>>) {add = true}
        %dma_wait3A_334 = arith.constant 0 : i32
        %dma_wait3A_335 = arith.constant 0 : i32
        %dma_wait3A_336 = tpu.memref_slice %arg8[%rem3A_283, %dma_wait3A_334, %dma_wait3A_335] : memref<4x80x128xf32, #tpu.memory_space<vmem>> -> memref<1x80x128xf32, #tpu.memory_space<vmem>>
        %dma_wait3A_337 = tpu.memref_squeeze %dma_wait3A_336 : memref<1x80x128xf32, #tpu.memory_space<vmem>> -> memref<80x128xf32, #tpu.memory_space<vmem>>
        %dma_wait3A_338 = arith.constant 0 : i32
        %dma_wait3A_339 = tpu.memref_slice %arg6[%rem3A_289, %run_scoped3A_322, %dma_wait3A_338] : memref<6x2x80xi32, #tpu.memory_space<vmem>> -> memref<1x1x80xi32, #tpu.memory_space<vmem>>
        %dma_wait3A_340 = tpu.memref_squeeze %dma_wait3A_339 : memref<1x1x80xi32, #tpu.memory_space<vmem>> -> memref<80xi32, #tpu.memory_space<vmem>>
        %dma_wait3A_341 = arith.constant 0 : i32
        %dma_wait3A_342 = arith.constant 0 : i32
        %dma_wait3A_343 = tpu.memref_slice %arg9[%dma_wait3A_341, %dma_wait3A_342] : memref<10000x128xf32, #tpu.memory_space<vmem_shared>> -> memref<10000x128xf32, #tpu.memory_space<vmem_shared>>
        tpu.wait_indirect_dma semaphore(%run_scoped3A_323 : memref<!tpu.dma_semaphore, #tpu.memory_space<semaphore_mem>>) src(%dma_wait3A_337 : memref<80x128xf32, #tpu.memory_space<vmem>>) dst(%dma_wait3A_343 : memref<10000x128xf32, #tpu.memory_space<vmem_shared>>)
        tpu.yield
      }) : () -> ()
    }
    %scan3A_275 = arith.constant 250 : i32
    %barrier3A_276 = arith.constant 0 : index
    tpu.barrier barrier_id(%barrier3A_276)
    "tpu.region"() ({
      %run_scoped3A_282 = tpu.sem_alloc : memref<!tpu.dma_semaphore, #tpu.memory_space<semaphore_mem>>
      %dma_start3A_283 = arith.constant 0 : i32
      %dma_start3A_284 = tpu.memref_slice %arg5[%arg0, %mul3A_5, %dma_start3A_283] : memref<2x10000x128xf32, #tpu.memory_space<hbm>> -> memref<1x624x128xf32, #tpu.memory_space<hbm>>
      %dma_start3A_285 = tpu.memref_squeeze %dma_start3A_284 : memref<1x624x128xf32, #tpu.memory_space<hbm>> -> memref<624x128xf32, #tpu.memory_space<hbm>>
      %dma_start3A_286 = arith.constant 0 : i32
      %dma_start3A_287 = tpu.memref_slice %arg9[%mul3A_5, %dma_start3A_286] : memref<10000x128xf32, #tpu.memory_space<vmem_shared>> -> memref<624x128xf32, #tpu.memory_space<vmem_shared>>
      tpu.enqueue_dma source(%dma_start3A_287 : memref<624x128xf32, #tpu.memory_space<vmem_shared>>) target(%dma_start3A_285 : memref<624x128xf32, #tpu.memory_space<hbm>>) target_semaphore(%run_scoped3A_282 : memref<!tpu.dma_semaphore, #tpu.memory_space<semaphore_mem>>)
      %dma_wait3A_288 = arith.constant 0 : i32
      %dma_wait3A_289 = tpu.memref_slice %arg5[%arg0, %mul3A_5, %dma_wait3A_288] : memref<2x10000x128xf32, #tpu.memory_space<hbm>> -> memref<1x624x128xf32, #tpu.memory_space<hbm>>
      %dma_wait3A_290 = tpu.memref_squeeze %dma_wait3A_289 : memref<1x624x128xf32, #tpu.memory_space<hbm>> -> memref<624x128xf32, #tpu.memory_space<hbm>>
      %dma_wait3A_291 = arith.constant 0 : i32
      %dma_wait3A_292 = tpu.memref_slice %arg9[%mul3A_5, %dma_wait3A_291] : memref<10000x128xf32, #tpu.memory_space<vmem_shared>> -> memref<624x128xf32, #tpu.memory_space<vmem_shared>>
      tpu.wait_dma2 semaphore(%run_scoped3A_282 : memref<!tpu.dma_semaphore, #tpu.memory_space<semaphore_mem>>) src(%dma_wait3A_292 : memref<624x128xf32, #tpu.memory_space<vmem_shared>>) dst(%dma_wait3A_290 : memref<624x128xf32, #tpu.memory_space<hbm>>)
      tpu.yield
    }) : () -> ()
    %eq3A_277 = arith.constant 15 : i32
    %eq3A_278 = arith.cmpi eq, %arg1, %eq3A_277 : i32
    %convert_element_type3A_279 = arith.extui %eq3A_278 : i1 to i32
    %cond3A_280 = arith.constant 0 : i32
    %cond3A_281 = arith.cmpi ne, %convert_element_type3A_279, %cond3A_280 : i32
    scf.if %cond3A_281 {
      "tpu.region"() ({
        %run_scoped3A_282 = tpu.sem_alloc : memref<!tpu.dma_semaphore, #tpu.memory_space<semaphore_mem>>
        %dma_start3A_283 = arith.constant 9984 : i32
        %dma_start3A_284 = arith.constant 0 : i32
        %dma_start3A_285 = tpu.memref_slice %arg5[%arg0, %dma_start3A_283, %dma_start3A_284] : memref<2x10000x128xf32, #tpu.memory_space<hbm>> -> memref<1x16x128xf32, #tpu.memory_space<hbm>>
        %dma_start3A_286 = tpu.memref_squeeze %dma_start3A_285 : memref<1x16x128xf32, #tpu.memory_space<hbm>> -> memref<16x128xf32, #tpu.memory_space<hbm>>
        %dma_start3A_287 = arith.constant 9984 : i32
        %dma_start3A_288 = arith.constant 0 : i32
        %dma_start3A_289 = tpu.memref_slice %arg9[%dma_start3A_287, %dma_start3A_288] : memref<10000x128xf32, #tpu.memory_space<vmem_shared>> -> memref<16x128xf32, #tpu.memory_space<vmem_shared>>
        tpu.enqueue_dma source(%dma_start3A_289 : memref<16x128xf32, #tpu.memory_space<vmem_shared>>) target(%dma_start3A_286 : memref<16x128xf32, #tpu.memory_space<hbm>>) target_semaphore(%run_scoped3A_282 : memref<!tpu.dma_semaphore, #tpu.memory_space<semaphore_mem>>)
        %dma_wait3A_290 = arith.constant 9984 : i32
        %dma_wait3A_291 = arith.constant 0 : i32
        %dma_wait3A_292 = tpu.memref_slice %arg5[%arg0, %dma_wait3A_290, %dma_wait3A_291] : memref<2x10000x128xf32, #tpu.memory_space<hbm>> -> memref<1x16x128xf32, #tpu.memory_space<hbm>>
        %dma_wait3A_293 = tpu.memref_squeeze %dma_wait3A_292 : memref<1x16x128xf32, #tpu.memory_space<hbm>> -> memref<16x128xf32, #tpu.memory_space<hbm>>
        %dma_wait3A_294 = arith.constant 9984 : i32
        %dma_wait3A_295 = arith.constant 0 : i32
        %dma_wait3A_296 = tpu.memref_slice %arg9[%dma_wait3A_294, %dma_wait3A_295] : memref<10000x128xf32, #tpu.memory_space<vmem_shared>> -> memref<16x128xf32, #tpu.memory_space<vmem_shared>>
        tpu.wait_dma2 semaphore(%run_scoped3A_282 : memref<!tpu.dma_semaphore, #tpu.memory_space<semaphore_mem>>) src(%dma_wait3A_296 : memref<16x128xf32, #tpu.memory_space<vmem_shared>>) dst(%dma_wait3A_293 : memref<16x128xf32, #tpu.memory_space<hbm>>)
        tpu.yield
      }) : () -> ()
    } else {
    }
    return
  }
}

module attributes {stable_mosaic.version = 14 : i64} {
  func.func @_proj_body(%arg0: i32, %arg1: memref<2000x512xf32, #tpu.memory_space<vmem>>, %arg2: memref<128x512xf32, #tpu.memory_space<vmem>>, %arg3: memref<1x128xf32, #tpu.memory_space<vmem>>, %arg4: memref<128x128xf32, #tpu.memory_space<vmem>>, %arg5: memref<128x128xf32, #tpu.memory_space<vmem>>, %arg6: memref<2x2000x128xf32, #tpu.memory_space<vmem>>) attributes {dimension_semantics = [#tpu.dimension_semantics<arbitrary>], iteration_bounds = array<i64: 5>, scalar_prefetch = 0 : i64, scratch_operands = 0 : i64, tpu.core_type = #tpu.core_type<tc>, window_params = [{transform_indices = @transform_0, window_bounds = array<i64: 2000, 512>}, {pipeline_mode = #tpu.pipeline_mode<synchronous>, transform_indices = @transform_1, window_bounds = array<i64: 128, 512>}, {pipeline_mode = #tpu.pipeline_mode<synchronous>, transform_indices = @transform_2, window_bounds = array<i64: 1, 128>}, {pipeline_mode = #tpu.pipeline_mode<synchronous>, transform_indices = @transform_3, window_bounds = array<i64: 128, 128>}, {pipeline_mode = #tpu.pipeline_mode<synchronous>, transform_indices = @transform_4, window_bounds = array<i64: 128, 128>}, {transform_indices = @transform_5, window_bounds = array<i64: 2, 2000, 128>}]} {
    %get3A = arith.constant 0 : index
    %get3A_0 = arith.constant 0 : index
    %get3A_1 = vector.load %arg1[%get3A, %get3A_0] : memref<2000x512xf32, #tpu.memory_space<vmem>>, vector<2000x512xf32>
    %get3A_2 = arith.constant 0 : index
    %get3A_3 = arith.constant 0 : index
    %get3A_4 = vector.load %arg2[%get3A_2, %get3A_3] : memref<128x512xf32, #tpu.memory_space<vmem>>, vector<128x512xf32>
    %transpose3A = tpu.transpose %get3A_4, [1, 0] : vector<128x512xf32> -> vector<512x128xf32>
    %dot_general3A = arith.constant dense<0.000000e+00> : vector<2000x128xf32>
    %dot_general3A_5 = tpu.matmul %get3A_1, %transpose3A, %dot_general3A {dimension_numbers = #tpu.dot_dimension_numbers<[1], [0], [0], [1], [0, 0, 1, 1], [], []>, transpose_lhs_hint = false} : vector<2000x512xf32>, vector<512x128xf32>, vector<2000x128xf32> -> vector<2000x128xf32>
    %get3A_6 = arith.constant 0 : index
    %get3A_7 = arith.constant 0 : index
    %get3A_8 = vector.load %arg3[%get3A_6, %get3A_7] : memref<1x128xf32, #tpu.memory_space<vmem>>, vector<1x128xf32>
    %add3A = vector.broadcast %get3A_8 : vector<1x128xf32> to vector<2000x128xf32>
    %add3A_9 = arith.addf %dot_general3A_5, %add3A : vector<2000x128xf32>
    %gt3A = arith.constant 0.000000e+00 : f32
    %gt3A_10 = vector.broadcast %gt3A : f32 to vector<2000x128xf32>
    %gt3A_11 = arith.cmpf ogt, %add3A_9, %gt3A_10 : vector<2000x128xf32>
    %exp3A = math.exp %add3A_9 : vector<2000x128xf32>
    %sub3A = arith.constant 1.000000e+00 : f32
    %sub3A_12 = vector.broadcast %sub3A : f32 to vector<2000x128xf32>
    %sub3A_13 = arith.subf %exp3A, %sub3A_12 : vector<2000x128xf32>
    %select_n3A = arith.select %gt3A_11, %add3A_9, %sub3A_13 : vector<2000x128xi1>, vector<2000x128xf32>
    %get3A_14 = arith.constant 0 : index
    %get3A_15 = arith.constant 0 : index
    %get3A_16 = vector.load %arg4[%get3A_14, %get3A_15] : memref<128x128xf32, #tpu.memory_space<vmem>>, vector<128x128xf32>
    %transpose3A_17 = tpu.transpose %get3A_16, [1, 0] : vector<128x128xf32> -> vector<128x128xf32>
    %dot_general3A_18 = arith.constant dense<0.000000e+00> : vector<2000x128xf32>
    %dot_general3A_19 = tpu.matmul %select_n3A, %transpose3A_17, %dot_general3A_18 {dimension_numbers = #tpu.dot_dimension_numbers<[1], [0], [0], [1], [0, 0, 1, 1], [], []>, transpose_lhs_hint = false} : vector<2000x128xf32>, vector<128x128xf32>, vector<2000x128xf32> -> vector<2000x128xf32>
    %swap3A = arith.constant 0 : index
    %swap3A_20 = arith.constant 0 : index
    %swap3A_21 = arith.constant 0 : index
    %swap3A_22 = vector.load %arg6[%swap3A, %swap3A_20, %swap3A_21] : memref<2x2000x128xf32, #tpu.memory_space<vmem>>, vector<1x2000x128xf32>
    %swap3A_23 = vector.shape_cast %swap3A_22 : vector<1x2000x128xf32> to vector<2000x128xf32>
    %swap3A_24 = vector.shape_cast %dot_general3A_19 : vector<2000x128xf32> to vector<1x2000x128xf32>
    tpu.vector_store %arg6[%swap3A, %swap3A_20, %swap3A_21], %swap3A_24 {strides = array<i32>} : memref<2x2000x128xf32, #tpu.memory_space<vmem>>, vector<1x2000x128xf32>,
    %get3A_25 = arith.constant 0 : index
    %get3A_26 = arith.constant 0 : index
    %get3A_27 = vector.load %arg5[%get3A_25, %get3A_26] : memref<128x128xf32, #tpu.memory_space<vmem>>, vector<128x128xf32>
    %transpose3A_28 = tpu.transpose %get3A_27, [1, 0] : vector<128x128xf32> -> vector<128x128xf32>
    %dot_general3A_29 = arith.constant dense<0.000000e+00> : vector<2000x128xf32>
    %dot_general3A_30 = tpu.matmul %select_n3A, %transpose3A_28, %dot_general3A_29 {dimension_numbers = #tpu.dot_dimension_numbers<[1], [0], [0], [1], [0, 0, 1, 1], [], []>, transpose_lhs_hint = false} : vector<2000x128xf32>, vector<128x128xf32>, vector<2000x128xf32> -> vector<2000x128xf32>
    %swap3A_31 = arith.constant 1 : index
    %swap3A_32 = arith.constant 0 : index
    %swap3A_33 = arith.constant 0 : index
    %swap3A_34 = vector.load %arg6[%swap3A_31, %swap3A_32, %swap3A_33] : memref<2x2000x128xf32, #tpu.memory_space<vmem>>, vector<1x2000x128xf32>
    %swap3A_35 = vector.shape_cast %swap3A_34 : vector<1x2000x128xf32> to vector<2000x128xf32>
    %swap3A_36 = vector.shape_cast %dot_general3A_30 : vector<2000x128xf32> to vector<1x2000x128xf32>
    tpu.vector_store %arg6[%swap3A_31, %swap3A_32, %swap3A_33], %swap3A_36 {strides = array<i32>} : memref<2x2000x128xf32, #tpu.memory_space<vmem>>, vector<1x2000x128xf32>,
    return
  }
  func.func @transform_0(%arg0: i32) -> (i32, i32) {
    %c0_i32 = arith.constant 0 : i32
    %c0_i32_0 = arith.constant 0 : i32
    return %arg0, %c0_i32 : i32, i32
  }
  func.func @transform_1(%arg0: i32) -> (i32, i32) {
    %c0_i32 = arith.constant 0 : i32
    %c0_i32_0 = arith.constant 0 : i32
    %c0_i32_1 = arith.constant 0 : i32
    return %c0_i32, %c0_i32_0 : i32, i32
  }
  func.func @transform_2(%arg0: i32) -> (i32, i32) {
    %c0_i32 = arith.constant 0 : i32
    %c0_i32_0 = arith.constant 0 : i32
    %c0_i32_1 = arith.constant 0 : i32
    return %c0_i32, %c0_i32_0 : i32, i32
  }
  func.func @transform_3(%arg0: i32) -> (i32, i32) {
    %c0_i32 = arith.constant 0 : i32
    %c0_i32_0 = arith.constant 0 : i32
    %c0_i32_1 = arith.constant 0 : i32
    return %c0_i32, %c0_i32_0 : i32, i32
  }
  func.func @transform_4(%arg0: i32) -> (i32, i32) {
    %c0_i32 = arith.constant 0 : i32
    %c0_i32_0 = arith.constant 0 : i32
    %c0_i32_1 = arith.constant 0 : i32
    return %c0_i32, %c0_i32_0 : i32, i32
  }
  func.func @transform_5(%arg0: i32) -> (i32, i32, i32) {
    %c0_i32 = arith.constant 0 : i32
    %c0_i32_0 = arith.constant 0 : i32
    %c0_i32_1 = arith.constant 0 : i32
    return %c0_i32, %arg0, %c0_i32_0 : i32, i32, i32
  }
}

module attributes {stable_mosaic.version = 14 : i64} {
  func.func @_score_body(%arg0: i32, %arg1: memref<2x2000x128xf32, #tpu.memory_space<vmem>>, %arg2: memref<2x128xf32, #tpu.memory_space<vmem>>, %arg3: memref<1x2xf32, #tpu.memory_space<vmem>>, %arg4: memref<128x128xf32, #tpu.memory_space<vmem>>, %arg5: memref<1x128xf32, #tpu.memory_space<vmem>>, %arg6: memref<2x128xf32, #tpu.memory_space<vmem>>) attributes {dimension_semantics = [#tpu.dimension_semantics<arbitrary>], iteration_bounds = array<i64: 5>, scalar_prefetch = 0 : i64, scratch_operands = 0 : i64, tpu.core_type = #tpu.core_type<tc>, window_params = [{transform_indices = @transform_0, window_bounds = array<i64: 2, 2000, 128>}, {pipeline_mode = #tpu.pipeline_mode<synchronous>, transform_indices = @transform_1, window_bounds = array<i64: 2, 128>}, {pipeline_mode = #tpu.pipeline_mode<synchronous>, transform_indices = @transform_2, window_bounds = array<i64: 1, 2>}, {pipeline_mode = #tpu.pipeline_mode<synchronous>, transform_indices = @transform_3, window_bounds = array<i64: 128, 128>}, {pipeline_mode = #tpu.pipeline_mode<synchronous>, transform_indices = @transform_4, window_bounds = array<i64: 1, 128>}, {pipeline_mode = #tpu.pipeline_mode<synchronous>, transform_indices = @transform_5, window_bounds = array<i64: 2, 128>}]} {
    %get3A = arith.constant 0 : index
    %get3A_0 = arith.constant 0 : index
    %get3A_1 = arith.constant 0 : index
    %get3A_2 = vector.load %arg1[%get3A, %get3A_0, %get3A_1] : memref<2x2000x128xf32, #tpu.memory_space<vmem>>, vector<1x2000x128xf32>
    %get3A_3 = vector.shape_cast %get3A_2 : vector<1x2000x128xf32> to vector<2000x128xf32>
    %get3A_4 = arith.constant 0 : index
    %get3A_5 = arith.constant 0 : index
    %get3A_6 = vector.load %arg2[%get3A_4, %get3A_5] : memref<2x128xf32, #tpu.memory_space<vmem>>, vector<1x128xf32>
    %get3A_7 = vector.shape_cast %get3A_6 : vector<1x128xf32> to vector<128xf32>
    %broadcast_in_dim3A = vector.shape_cast %get3A_7 : vector<128xf32> to vector<1x128xf32>
    %add3A = vector.broadcast %broadcast_in_dim3A : vector<1x128xf32> to vector<2000x128xf32>
    %add3A_8 = arith.addf %get3A_3, %add3A : vector<2000x128xf32>
    %gt3A = arith.constant 0.000000e+00 : f32
    %gt3A_9 = vector.broadcast %gt3A : f32 to vector<2000x128xf32>
    %gt3A_10 = arith.cmpf ogt, %add3A_8, %gt3A_9 : vector<2000x128xf32>
    %get3A_11 = arith.constant 0 : index
    %get3A_12 = arith.constant 0 : index
    %get3A_13 = vector.load %arg3[%get3A_11, %get3A_12] : memref<1x2xf32, #tpu.memory_space<vmem>>, vector<1x1xf32>
    %get3A_14 = vector.extract %get3A_13[0, 0] : f32 from vector<1x1xf32>
    %mul3A = vector.broadcast %get3A_14 : f32 to vector<2000x128xf32>
    %mul3A_15 = arith.mulf %mul3A, %add3A_8 : vector<2000x128xf32>
    %select_n3A = arith.select %gt3A_10, %add3A_8, %mul3A_15 : vector<2000x128xi1>, vector<2000x128xf32>
    %get3A_16 = arith.constant 0 : index
    %get3A_17 = arith.constant 0 : index
    %get3A_18 = vector.load %arg4[%get3A_16, %get3A_17] : memref<128x128xf32, #tpu.memory_space<vmem>>, vector<128x128xf32>
    %transpose3A = tpu.transpose %get3A_18, [1, 0] : vector<128x128xf32> -> vector<128x128xf32>
    %dot_general3A = arith.constant dense<0.000000e+00> : vector<2000x128xf32>
    %dot_general3A_19 = tpu.matmul %select_n3A, %transpose3A, %dot_general3A {dimension_numbers = #tpu.dot_dimension_numbers<[1], [0], [0], [1], [0, 0, 1, 1], [], []>, transpose_lhs_hint = false} : vector<2000x128xf32>, vector<128x128xf32>, vector<2000x128xf32> -> vector<2000x128xf32>
    %get3A_20 = arith.constant 0 : index
    %get3A_21 = arith.constant 0 : index
    %get3A_22 = vector.load %arg5[%get3A_20, %get3A_21] : memref<1x128xf32, #tpu.memory_space<vmem>>, vector<1x128xf32>
    %add3A_23 = vector.broadcast %get3A_22 : vector<1x128xf32> to vector<2000x128xf32>
    %add3A_24 = arith.addf %dot_general3A_19, %add3A_23 : vector<2000x128xf32>
    %tanh3A = math.tanh %add3A_24 : vector<2000x128xf32>
    %reduce_sum3A = arith.constant dense<0.000000e+00> : vector<128xf32>
    %reduce_sum3A_25 = vector.multi_reduction <add>, %tanh3A, %reduce_sum3A [0] : vector<2000x128xf32> to vector<128xf32>
    %broadcast_in_dim3A_26 = vector.shape_cast %reduce_sum3A_25 : vector<128xf32> to vector<1x128xf32>
    %get3A_27 = arith.constant 1 : index
    %get3A_28 = arith.constant 0 : index
    %get3A_29 = arith.constant 0 : index
    %get3A_30 = vector.load %arg1[%get3A_27, %get3A_28, %get3A_29] : memref<2x2000x128xf32, #tpu.memory_space<vmem>>, vector<1x2000x128xf32>
    %get3A_31 = vector.shape_cast %get3A_30 : vector<1x2000x128xf32> to vector<2000x128xf32>
    %get3A_32 = arith.constant 1 : index
    %get3A_33 = arith.constant 0 : index
    %get3A_34 = vector.load %arg2[%get3A_32, %get3A_33] : memref<2x128xf32, #tpu.memory_space<vmem>>, vector<1x128xf32>
    %get3A_35 = vector.shape_cast %get3A_34 : vector<1x128xf32> to vector<128xf32>
    %broadcast_in_dim3A_36 = vector.shape_cast %get3A_35 : vector<128xf32> to vector<1x128xf32>
    %add3A_37 = vector.broadcast %broadcast_in_dim3A_36 : vector<1x128xf32> to vector<2000x128xf32>
    %add3A_38 = arith.addf %get3A_31, %add3A_37 : vector<2000x128xf32>
    %gt3A_39 = arith.constant 0.000000e+00 : f32
    %gt3A_40 = vector.broadcast %gt3A_39 : f32 to vector<2000x128xf32>
    %gt3A_41 = arith.cmpf ogt, %add3A_38, %gt3A_40 : vector<2000x128xf32>
    %get3A_42 = arith.constant 0 : index
    %get3A_43 = arith.constant 1 : index
    %get3A_44 = vector.load %arg3[%get3A_42, %get3A_43] : memref<1x2xf32, #tpu.memory_space<vmem>>, vector<1x1xf32>
    %get3A_45 = vector.extract %get3A_44[0, 0] : f32 from vector<1x1xf32>
    %mul3A_46 = vector.broadcast %get3A_45 : f32 to vector<2000x128xf32>
    %mul3A_47 = arith.mulf %mul3A_46, %add3A_38 : vector<2000x128xf32>
    %select_n3A_48 = arith.select %gt3A_41, %add3A_38, %mul3A_47 : vector<2000x128xi1>, vector<2000x128xf32>
    %get3A_49 = arith.constant 0 : index
    %get3A_50 = arith.constant 0 : index
    %get3A_51 = vector.load %arg4[%get3A_49, %get3A_50] : memref<128x128xf32, #tpu.memory_space<vmem>>, vector<128x128xf32>
    %transpose3A_52 = tpu.transpose %get3A_51, [1, 0] : vector<128x128xf32> -> vector<128x128xf32>
    %dot_general3A_53 = arith.constant dense<0.000000e+00> : vector<2000x128xf32>
    %dot_general3A_54 = tpu.matmul %select_n3A_48, %transpose3A_52, %dot_general3A_53 {dimension_numbers = #tpu.dot_dimension_numbers<[1], [0], [0], [1], [0, 0, 1, 1], [], []>, transpose_lhs_hint = false} : vector<2000x128xf32>, vector<128x128xf32>, vector<2000x128xf32> -> vector<2000x128xf32>
    %get3A_55 = arith.constant 0 : index
    %get3A_56 = arith.constant 0 : index
    %get3A_57 = vector.load %arg5[%get3A_55, %get3A_56] : memref<1x128xf32, #tpu.memory_space<vmem>>, vector<1x128xf32>
    %add3A_58 = vector.broadcast %get3A_57 : vector<1x128xf32> to vector<2000x128xf32>
    %add3A_59 = arith.addf %dot_general3A_54, %add3A_58 : vector<2000x128xf32>
    %tanh3A_60 = math.tanh %add3A_59 : vector<2000x128xf32>
    %reduce_sum3A_61 = arith.constant dense<0.000000e+00> : vector<128xf32>
    %reduce_sum3A_62 = vector.multi_reduction <add>, %tanh3A_60, %reduce_sum3A_61 [0] : vector<2000x128xf32> to vector<128xf32>
    %broadcast_in_dim3A_63 = vector.shape_cast %reduce_sum3A_62 : vector<128xf32> to vector<1x128xf32>
    %concatenate3A = tpu.concatenate %broadcast_in_dim3A_26, %broadcast_in_dim3A_63 in 0 : vector<1x128xf32>, vector<1x128xf32> -> vector<2x128xf32>
    %eq3A = arith.constant 0 : i32
    %eq3A_64 = arith.cmpi eq, %arg0, %eq3A : i32
    %convert_element_type3A = arith.extui %eq3A_64 : i1 to i32
    %cond3A = arith.constant 0 : i32
    %cond3A_65 = arith.cmpi ne, %convert_element_type3A, %cond3A : i32
    scf.if %cond3A_65 {
      %swap3A = arith.constant 0 : index
      %swap3A_71 = arith.constant 0 : index
      %swap3A_72 = vector.load %arg6[%swap3A, %swap3A_71] : memref<2x128xf32, #tpu.memory_space<vmem>>, vector<2x128xf32>
      tpu.vector_store %arg6[%swap3A, %swap3A_71], %concatenate3A {strides = array<i32>} : memref<2x128xf32, #tpu.memory_space<vmem>>, vector<2x128xf32>,
    } else {
    }
    %gt3A_66 = arith.constant 0 : i32
    %gt3A_67 = arith.cmpi sgt, %arg0, %gt3A_66 : i32
    %convert_element_type3A_68 = arith.extui %gt3A_67 : i1 to i32
    %cond3A_69 = arith.constant 0 : i32
    %cond3A_70 = arith.cmpi ne, %convert_element_type3A_68, %cond3A_69 : i32
    scf.if %cond3A_70 {
      %get3A_71 = arith.constant 0 : index
      %get3A_72 = arith.constant 0 : index
      %get3A_73 = vector.load %arg6[%get3A_71, %get3A_72] : memref<2x128xf32, #tpu.memory_space<vmem>>, vector<2x128xf32>
      %add3A_74 = arith.addf %get3A_73, %concatenate3A : vector<2x128xf32>
      %swap3A = arith.constant 0 : index
      %swap3A_75 = arith.constant 0 : index
      %swap3A_76 = vector.load %arg6[%swap3A, %swap3A_75] : memref<2x128xf32, #tpu.memory_space<vmem>>, vector<2x128xf32>
      tpu.vector_store %arg6[%swap3A, %swap3A_75], %add3A_74 {strides = array<i32>} : memref<2x128xf32, #tpu.memory_space<vmem>>, vector<2x128xf32>,
    } else {
    }
    return
  }
  func.func @transform_0(%arg0: i32) -> (i32, i32, i32) {
    %c0_i32 = arith.constant 0 : i32
    %c0_i32_0 = arith.constant 0 : i32
    %c0_i32_1 = arith.constant 0 : i32
    return %c0_i32, %arg0, %c0_i32_0 : i32, i32, i32
  }
  func.func @transform_1(%arg0: i32) -> (i32, i32) {
    %c0_i32 = arith.constant 0 : i32
    %c0_i32_0 = arith.constant 0 : i32
    %c0_i32_1 = arith.constant 0 : i32
    return %c0_i32, %c0_i32_0 : i32, i32
  }
  func.func @transform_2(%arg0: i32) -> (i32, i32) {
    %c0_i32 = arith.constant 0 : i32
    %c0_i32_0 = arith.constant 0 : i32
    %c0_i32_1 = arith.constant 0 : i32
    return %c0_i32, %c0_i32_0 : i32, i32
  }
  func.func @transform_3(%arg0: i32) -> (i32, i32) {
    %c0_i32 = arith.constant 0 : i32
    %c0_i32_0 = arith.constant 0 : i32
    %c0_i32_1 = arith.constant 0 : i32
    return %c0_i32, %c0_i32_0 : i32, i32
  }
  func.func @transform_4(%arg0: i32) -> (i32, i32) {
    %c0_i32 = arith.constant 0 : i32
    %c0_i32_0 = arith.constant 0 : i32
    %c0_i32_1 = arith.constant 0 : i32
    return %c0_i32, %c0_i32_0 : i32, i32
  }
  func.func @transform_5(%arg0: i32) -> (i32, i32) {
    %c0_i32 = arith.constant 0 : i32
    %c0_i32_0 = arith.constant 0 : i32
    %c0_i32_1 = arith.constant 0 : i32
    return %c0_i32, %c0_i32_0 : i32, i32
  }
}

module attributes {stable_mosaic.version = 14 : i64} {
  func.func @_combine_body(%arg0: i32, %arg1: memref<2x2000x128xf32, #tpu.memory_space<vmem>>, %arg2: memref<2x128xf32, #tpu.memory_space<vmem>>, %arg3: memref<1x2xf32, #tpu.memory_space<vmem>>, %arg4: memref<2x128xf32, #tpu.memory_space<vmem>>, %arg5: memref<1x128xf32, #tpu.memory_space<vmem>>, %arg6: memref<2000x128xf32, #tpu.memory_space<vmem>>) attributes {dimension_semantics = [#tpu.dimension_semantics<arbitrary>], iteration_bounds = array<i64: 5>, scalar_prefetch = 0 : i64, scratch_operands = 0 : i64, tpu.core_type = #tpu.core_type<tc>, window_params = [{transform_indices = @transform_0, window_bounds = array<i64: 2, 2000, 128>}, {pipeline_mode = #tpu.pipeline_mode<synchronous>, transform_indices = @transform_1, window_bounds = array<i64: 2, 128>}, {pipeline_mode = #tpu.pipeline_mode<synchronous>, transform_indices = @transform_2, window_bounds = array<i64: 1, 2>}, {pipeline_mode = #tpu.pipeline_mode<synchronous>, transform_indices = @transform_3, window_bounds = array<i64: 2, 128>}, {pipeline_mode = #tpu.pipeline_mode<synchronous>, transform_indices = @transform_4, window_bounds = array<i64: 1, 128>}, {transform_indices = @transform_5, window_bounds = array<i64: 2000, 128>}]} {
    %get3A = arith.constant 0 : index
    %get3A_0 = arith.constant 0 : index
    %get3A_1 = vector.load %arg4[%get3A, %get3A_0] : memref<2x128xf32, #tpu.memory_space<vmem>>, vector<1x128xf32>
    %get3A_2 = vector.shape_cast %get3A_1 : vector<1x128xf32> to vector<128xf32>
    %get3A_3 = arith.constant 0 : index
    %get3A_4 = arith.constant 0 : index
    %get3A_5 = vector.load %arg5[%get3A_3, %get3A_4] : memref<1x128xf32, #tpu.memory_space<vmem>>, vector<1x128xf32>
    %get3A_6 = vector.shape_cast %get3A_5 : vector<1x128xf32> to vector<128xf32>
    %mul3A = arith.mulf %get3A_2, %get3A_6 : vector<128xf32>
    %reduce_sum3A = vector.shape_cast %mul3A : vector<128xf32> to vector<1x128xf32>
    %reduce_sum3A_7 = arith.constant dense<0.000000e+00> : vector<1xf32>
    %reduce_sum3A_8 = vector.multi_reduction <add>, %reduce_sum3A, %reduce_sum3A_7 [1] : vector<1x128xf32> to vector<1xf32>
    %reduce_sum3A_9 = vector.shape_cast %reduce_sum3A_8 : vector<1xf32> to vector<1x1xf32>
    %reduce_sum3A_10 = vector.extract %reduce_sum3A_9[0, 0] : f32 from vector<1x1xf32>
    %div3A = arith.constant 1.000000e+04 : f32
    %div3A_11 = arith.divf %reduce_sum3A_10, %div3A : f32
    %get3A_12 = arith.constant 1 : index
    %get3A_13 = arith.constant 0 : index
    %get3A_14 = vector.load %arg4[%get3A_12, %get3A_13] : memref<2x128xf32, #tpu.memory_space<vmem>>, vector<1x128xf32>
    %get3A_15 = vector.shape_cast %get3A_14 : vector<1x128xf32> to vector<128xf32>
    %get3A_16 = arith.constant 0 : index
    %get3A_17 = arith.constant 0 : index
    %get3A_18 = vector.load %arg5[%get3A_16, %get3A_17] : memref<1x128xf32, #tpu.memory_space<vmem>>, vector<1x128xf32>
    %get3A_19 = vector.shape_cast %get3A_18 : vector<1x128xf32> to vector<128xf32>
    %mul3A_20 = arith.mulf %get3A_15, %get3A_19 : vector<128xf32>
    %reduce_sum3A_21 = vector.shape_cast %mul3A_20 : vector<128xf32> to vector<1x128xf32>
    %reduce_sum3A_22 = arith.constant dense<0.000000e+00> : vector<1xf32>
    %reduce_sum3A_23 = vector.multi_reduction <add>, %reduce_sum3A_21, %reduce_sum3A_22 [1] : vector<1x128xf32> to vector<1xf32>
    %reduce_sum3A_24 = vector.shape_cast %reduce_sum3A_23 : vector<1xf32> to vector<1x1xf32>
    %reduce_sum3A_25 = vector.extract %reduce_sum3A_24[0, 0] : f32 from vector<1x1xf32>
    %div3A_26 = arith.constant 1.000000e+04 : f32
    %div3A_27 = arith.divf %reduce_sum3A_25, %div3A_26 : f32
    %max3A = arith.maximumf %div3A_11, %div3A_27 : f32
    %sub3A = arith.subf %div3A_11, %max3A : f32
    %exp3A = math.exp %sub3A : f32
    %sub3A_28 = arith.subf %div3A_27, %max3A : f32
    %exp3A_29 = math.exp %sub3A_28 : f32
    %add3A = arith.addf %exp3A, %exp3A_29 : f32
    %div3A_30 = arith.divf %exp3A, %add3A : f32
    %add3A_31 = arith.addf %exp3A, %exp3A_29 : f32
    %div3A_32 = arith.divf %exp3A_29, %add3A_31 : f32
    %get3A_33 = arith.constant 0 : index
    %get3A_34 = arith.constant 0 : index
    %get3A_35 = arith.constant 0 : index
    %get3A_36 = vector.load %arg1[%get3A_33, %get3A_34, %get3A_35] : memref<2x2000x128xf32, #tpu.memory_space<vmem>>, vector<1x2000x128xf32>
    %get3A_37 = vector.shape_cast %get3A_36 : vector<1x2000x128xf32> to vector<2000x128xf32>
    %get3A_38 = arith.constant 0 : index
    %get3A_39 = arith.constant 0 : index
    %get3A_40 = vector.load %arg2[%get3A_38, %get3A_39] : memref<2x128xf32, #tpu.memory_space<vmem>>, vector<1x128xf32>
    %get3A_41 = vector.shape_cast %get3A_40 : vector<1x128xf32> to vector<128xf32>
    %broadcast_in_dim3A = vector.shape_cast %get3A_41 : vector<128xf32> to vector<1x128xf32>
    %add3A_42 = vector.broadcast %broadcast_in_dim3A : vector<1x128xf32> to vector<2000x128xf32>
    %add3A_43 = arith.addf %get3A_37, %add3A_42 : vector<2000x128xf32>
    %get3A_44 = arith.constant 1 : index
    %get3A_45 = arith.constant 0 : index
    %get3A_46 = arith.constant 0 : index
    %get3A_47 = vector.load %arg1[%get3A_44, %get3A_45, %get3A_46] : memref<2x2000x128xf32, #tpu.memory_space<vmem>>, vector<1x2000x128xf32>
    %get3A_48 = vector.shape_cast %get3A_47 : vector<1x2000x128xf32> to vector<2000x128xf32>
    %get3A_49 = arith.constant 1 : index
    %get3A_50 = arith.constant 0 : index
    %get3A_51 = vector.load %arg2[%get3A_49, %get3A_50] : memref<2x128xf32, #tpu.memory_space<vmem>>, vector<1x128xf32>
    %get3A_52 = vector.shape_cast %get3A_51 : vector<1x128xf32> to vector<128xf32>
    %broadcast_in_dim3A_53 = vector.shape_cast %get3A_52 : vector<128xf32> to vector<1x128xf32>
    %add3A_54 = vector.broadcast %broadcast_in_dim3A_53 : vector<1x128xf32> to vector<2000x128xf32>
    %add3A_55 = arith.addf %get3A_48, %add3A_54 : vector<2000x128xf32>
    %gt3A = arith.constant 0.000000e+00 : f32
    %gt3A_56 = vector.broadcast %gt3A : f32 to vector<2000x128xf32>
    %gt3A_57 = arith.cmpf ogt, %add3A_43, %gt3A_56 : vector<2000x128xf32>
    %get3A_58 = arith.constant 0 : index
    %get3A_59 = arith.constant 0 : index
    %get3A_60 = vector.load %arg3[%get3A_58, %get3A_59] : memref<1x2xf32, #tpu.memory_space<vmem>>, vector<1x1xf32>
    %get3A_61 = vector.extract %get3A_60[0, 0] : f32 from vector<1x1xf32>
    %mul3A_62 = vector.broadcast %get3A_61 : f32 to vector<2000x128xf32>
    %mul3A_63 = arith.mulf %mul3A_62, %add3A_43 : vector<2000x128xf32>
    %select_n3A = arith.select %gt3A_57, %add3A_43, %mul3A_63 : vector<2000x128xi1>, vector<2000x128xf32>
    %gt3A_64 = arith.constant 0.000000e+00 : f32
    %gt3A_65 = vector.broadcast %gt3A_64 : f32 to vector<2000x128xf32>
    %gt3A_66 = arith.cmpf ogt, %add3A_55, %gt3A_65 : vector<2000x128xf32>
    %get3A_67 = arith.constant 0 : index
    %get3A_68 = arith.constant 1 : index
    %get3A_69 = vector.load %arg3[%get3A_67, %get3A_68] : memref<1x2xf32, #tpu.memory_space<vmem>>, vector<1x1xf32>
    %get3A_70 = vector.extract %get3A_69[0, 0] : f32 from vector<1x1xf32>
    %mul3A_71 = vector.broadcast %get3A_70 : f32 to vector<2000x128xf32>
    %mul3A_72 = arith.mulf %mul3A_71, %add3A_55 : vector<2000x128xf32>
    %select_n3A_73 = arith.select %gt3A_66, %add3A_55, %mul3A_72 : vector<2000x128xi1>, vector<2000x128xf32>
    %mul3A_74 = vector.broadcast %div3A_30 : f32 to vector<2000x128xf32>
    %mul3A_75 = arith.mulf %mul3A_74, %select_n3A : vector<2000x128xf32>
    %mul3A_76 = vector.broadcast %div3A_32 : f32 to vector<2000x128xf32>
    %mul3A_77 = arith.mulf %mul3A_76, %select_n3A_73 : vector<2000x128xf32>
    %add3A_78 = arith.addf %mul3A_75, %mul3A_77 : vector<2000x128xf32>
    %swap3A = arith.constant 0 : index
    %swap3A_79 = arith.constant 0 : index
    %swap3A_80 = vector.load %arg6[%swap3A, %swap3A_79] : memref<2000x128xf32, #tpu.memory_space<vmem>>, vector<2000x128xf32>
    tpu.vector_store %arg6[%swap3A, %swap3A_79], %add3A_78 {strides = array<i32>} : memref<2000x128xf32, #tpu.memory_space<vmem>>, vector<2000x128xf32>,
    return
  }
  func.func @transform_0(%arg0: i32) -> (i32, i32, i32) {
    %c0_i32 = arith.constant 0 : i32
    %c0_i32_0 = arith.constant 0 : i32
    %c0_i32_1 = arith.constant 0 : i32
    return %c0_i32, %arg0, %c0_i32_0 : i32, i32, i32
  }
  func.func @transform_1(%arg0: i32) -> (i32, i32) {
    %c0_i32 = arith.constant 0 : i32
    %c0_i32_0 = arith.constant 0 : i32
    %c0_i32_1 = arith.constant 0 : i32
    return %c0_i32, %c0_i32_0 : i32, i32
  }
  func.func @transform_2(%arg0: i32) -> (i32, i32) {
    %c0_i32 = arith.constant 0 : i32
    %c0_i32_0 = arith.constant 0 : i32
    %c0_i32_1 = arith.constant 0 : i32
    return %c0_i32, %c0_i32_0 : i32, i32
  }
  func.func @transform_3(%arg0: i32) -> (i32, i32) {
    %c0_i32 = arith.constant 0 : i32
    %c0_i32_0 = arith.constant 0 : i32
    %c0_i32_1 = arith.constant 0 : i32
    return %c0_i32, %c0_i32_0 : i32, i32
  }
  func.func @transform_4(%arg0: i32) -> (i32, i32) {
    %c0_i32 = arith.constant 0 : i32
    %c0_i32_0 = arith.constant 0 : i32
    %c0_i32_1 = arith.constant 0 : i32
    return %c0_i32, %c0_i32_0 : i32, i32
  }
  func.func @transform_5(%arg0: i32) -> (i32, i32) {
    %c0_i32 = arith.constant 0 : i32
    %c0_i32_0 = arith.constant 0 : i32
    return %arg0, %c0_i32 : i32, i32
  }
}

</mosaic_0001>

<sc_bundles>
// kernel: kernel.6.cloned.1.call-start
scs
__scs_entry_jumppad:
0x0: {  	(pc) =	sbr.rel $0x88, $3  }
0x1: {  	(tag) =	ssettag $0x0;
	lr =	simm.s32 $0x1  }
0x2: {  	[smem:$0x3F91] =	sst lr;
	_ =	strace $0xD0000000  }
0x3: {  	_ = 	snop  }
0x4: {  	_ = 	snop  }
0x5: {  	_ = 	snop  }
0x6: {  	_ = 	snop  }
0x7: {  	_ = 	snop  }
__scs_overlays_trampoline_lowered:
0x8: {  	[smem:$0x3FA0] =	sst s0  }
0x9: {  	[smem:$0x3FA1] =	sst s1  }
0xa: {  	[smem:$0x3FA2] =	sst s2  }
0xb: {  	[smem:$0x3FA3] =	sst s3  }
0xc: {  	[smem:$0x3FA4] =	sst s4  }
0xd: {  	[smem:$0x3FA5] =	sst s5  }
0xe: {  	[smem:$0x3FA6] =	sst s6  }
0xf: {  	[smem:$0x3FA7] =	sst s7  }
0x10: {  	[smem:$0x3FA8] =	sst s8  }
0x11: {  	[smem:$0x3FA9] =	sst s9;
	s0 =	simm.s32 @!p0 $0x0  }
0x12: {  	s1 =	sld [smem:$0x3F8F];
	s0 =	simm.s32 @p0 $0x1  }
0x13: {  	[smem:$0x3FAA] =	sst s0;
	s0 =	simm.s32 @!p1 $0x0  }
0x14: {  	s2 =	sld [smem:$0x3F8E];
	s0 =	simm.s32 @p1 $0x1  }
0x15: {  	[smem:$0x3FAB] =	sst s0;
	s0 =	simm.s32 @!p2 $0x0  }
0x16: {  	s3 =	sld [smem:$0x3FDB];
	s0 =	simm.s32 @p2 $0x1  }
0x17: {  	s4 =	simm.s32 $0x1BF5;
	[smem:$0x3FAD] =	sst s0  }
0x18: {  	s0 =	sld [smem:$0x3F90];
	_ =	swait.ge [sflag:s4], $0x0  }
0x19: {  	s7 =	sld [smem:$0x3F91]  }
0x1a: {  	s8 =	sadd.s32 $0xFFFFE003, lr  }
0x1b: {  	s9 =	sadd.s32 $0xFFFFFEF7, lr;
	s5 =	simm.s32 $0xFFFFFFFF;
	p2 =	slt.u32 s8, $0xFFFFF086  }
0x1c: {  	p1 =	slt.u32 s9, $0xF7A;
	s5 =	simm.s32 @!p2 $0x0  }
0x1d: {  	s5 =	simm.s32 @p1 $0x1;
	p0 =	seq.s32 s7, s2  }
0x1e: {  	s7 =	smul.u32 @!p0 $0xF7A, s2;
	p2 =	seq.s32 @!p0 s5, $0x0  }
0x1f: {  	s9 =	smul.u32 $0xF7A, s1;
	s8 =	simm.s32 @!p0 $0x1BF5;
	p2 =	por !p2, p0  }
0x20: {  	[sflag:s8] =	ssyncset.s32 @!p0 $0xFFFFF086;
	s6 =	sadd.s32 @!p0 s3, s7;
	s7 =	simm.s32 @!p0 $0x108  }
0x21: {  	s3 =	sadd.s32 s3, s9;
	s6 =	sadd.s32 @!p0 $0x88, s6;
	s7 =	simm.s32 @p2 $0x1082  }
0x22: {  	[simem:s7], [sflag:s8] =	dma.local @!p0 [hbm:s6], $0xF7A  }
0x23: {  	s9 =	sor.u32 $0xD0000000, s2;
	s6 =	simm.s32 $0x108;
	_ =	swait.ge @!p0 [sflag:s8], $0x0  }
0x24: {  	s3 =	sadd.s32 $0x88, s3;
	s6 =	simm.s32 @!p1 $0x1082;
	[sflag:s4] =	ssyncset.s32 $0xFFFFF086  }
0x25: {  	[simem:s6], [sflag:s4] =	dma.local [hbm:s3], $0xF7A  }
0x26: {  	[smem:$0x3F91] =	sst s1;
	(tag) =	ssettag s2;
	_ =	strace s9  }
0x27: {  	s1 =	sld [smem:$0x3FA1]  }
0x28: {  	s2 =	sld [smem:$0x3FA2]  }
0x29: {  	s4 =	sld [smem:$0x3FA4]  }
0x2a: {  	p0 =	seq.s32 s5, $0x0;
	s5 =	sld [smem:$0x3FA5]  }
0x2b: {  	s6 =	sld [smem:$0x3FA6]  }
0x2c: {  	s7 =	sld [smem:$0x3FA7]  }
0x2d: {  	s3 =	simm.s32 $0x108;
	s8 =	sld [smem:$0x3FA8]  }
0x2e: {  	s3 =	simm.s32 @!p0 $0x1082;
	s9 =	sld [smem:$0x3FA9]  }
0x2f: {  	lr =	sadd.s32 s0, s3;
	s0 =	sld [smem:$0x3FA0]  }
0x30: {  	s3 =	sld [smem:$0x3FA3]  }
0x31: {  	[smem:$0x3FAC] =	sst s10  }
0x32: {  	s10 =	sld [smem:$0x3FAA];
	_ =	sdelay $0x3  }
0x33: {  	p0 =	seq.s32 s10, $0x1;
	s10 =	sld [smem:$0x3FAC];
	_ =	sdelay $0x3  }
0x34: {  	[smem:$0x3FAC] =	sst s10  }
0x35: {  	s10 =	sld [smem:$0x3FAB];
	_ =	sdelay $0x3  }
0x36: {  	p1 =	seq.s32 s10, $0x1;
	s10 =	sld [smem:$0x3FAC];
	_ =	sdelay $0x3  }
0x37: {  	[smem:$0x3FAC] =	sst s10  }
0x38: {  	s10 =	sld [smem:$0x3FAD]  }
0x39: {  	_ = 	snop;
	(pc) =	sbr.ind lr, $3  }
0x3a: {  	_ = 	snop  }
0x3b: {  	_ = 	snop  }
0x3c: {  	p2 =	seq.s32 s10, $0x1;
	s10 =	sld [smem:$0x3FAC]  }
0x3d: {  	_ =	shalt  }
0x3e: {  	_ =	shalt  }
0x3f: {  	_ =	shalt  }
0x40: {  	_ =	shalt  }
0x41: {  	_ =	shalt  }
0x42: {  	_ =	shalt  }
0x43: {  	_ =	shalt  }
0x44: {  	_ =	shalt  }
0x45: {  	_ =	shalt  }
0x46: {  	_ =	shalt  }
0x47: {  	_ =	shalt  }
0x48: {  	_ =	shalt  }
0x49: {  	_ =	shalt  }
0x4a: {  	_ =	shalt  }
0x4b: {  	_ =	shalt  }
0x4c: {  	_ =	shalt  }
0x4d: {  	_ =	shalt  }
0x4e: {  	_ =	shalt  }
0x4f: {  	_ =	shalt  }
0x50: {  	_ =	shalt  }
0x51: {  	_ =	shalt  }
0x52: {  	_ =	shalt  }
0x53: {  	_ =	shalt  }
0x54: {  	_ =	shalt  }
0x55: {  	_ =	shalt  }
0x56: {  	_ =	shalt  }
0x57: {  	_ =	shalt  }
0x58: {  	_ =	shalt  }
0x59: {  	_ =	shalt  }
0x5a: {  	_ =	shalt  }
0x5b: {  	_ =	shalt  }
0x5c: {  	_ =	shalt  }
0x5d: {  	_ =	shalt  }
0x5e: {  	_ =	shalt  }
0x5f: {  	_ =	shalt  }
0x60: {  	_ =	shalt  }
0x61: {  	_ =	shalt  }
0x62: {  	_ =	shalt  }
0x63: {  	_ =	shalt  }
0x64: {  	_ =	shalt  }
0x65: {  	_ =	shalt  }
0x66: {  	_ =	shalt  }
0x67: {  	_ =	shalt  }
0x68: {  	_ =	shalt  }
0x69: {  	_ =	shalt  }
0x6a: {  	_ =	shalt  }
0x6b: {  	_ =	shalt  }
0x6c: {  	_ =	shalt  }
0x6d: {  	_ =	shalt  }
0x6e: {  	_ =	shalt  }
0x6f: {  	_ =	shalt  }
0x70: {  	_ =	shalt  }
0x71: {  	_ =	shalt  }
0x72: {  	_ =	shalt  }
0x73: {  	_ =	shalt  }
0x74: {  	_ =	shalt  }
0x75: {  	_ =	shalt  }
0x76: {  	_ =	shalt  }
0x77: {  	_ =	shalt  }
0x78: {  	_ =	shalt  }
0x79: {  	_ =	shalt  }
0x7a: {  	_ =	shalt  }
0x7b: {  	_ =	shalt  }
0x7c: {  	_ =	shalt  }
0x7d: {  	_ =	shalt  }
0x7e: {  	_ =	shalt  }
0x7f: {  	_ =	shalt  }
0x80: {  	_ =	shalt  }
0x81: {  	_ =	shalt  }
0x82: {  	_ =	shalt  }
0x83: {  	_ =	shalt  }
0x84: {  	_ =	shalt  }
0x85: {  	_ =	shalt  }
0x86: {  	_ =	shalt  }
0x87: {  	_ =	shalt  }
.Lfunc_end0:
.L_simem_size_0:
called_computation_lowered:
.L_overlay_start_0:
0x88: {  	s2 =	sld [smem:$0x3FD9]  }
0x89: {  	s3 =	sld [smem:$0x3FFE];
	_ =	sdelay $0x1  }
0x8a: {  	s1 =	srdreg.scid  }
0x8b: {  	s0 =	sand.u32 $0x1, s1  }
0x8c: {  	s17 =	sshll.u32 s0, $0xA;
	s2 =	sadd.s32 s3, s2  }
0x8d: {  	s2 =	sadd.s32 s2, s17  }
0x8e: {  	[smem:$0x3FB8] =	sst s2  }
0x8f: {  	_ = 	snop  }
0x90: {  	s2 =	sld [smem:$0x3FD0];
	(tm) =	ssettm $0x1  }
0x91: {  	s18 =	sld [smem:$0x3FFB];
	_ =	sdelay $0x3  }
0x92: {  	_ =	strace s18  }
0x93: {  	s3 =	sld [smem:$0x3FFC];
	_ =	sdelay $0x3  }
0x94: {  	_ =	strace s3  }
0x95: {  	s3 =	sld [smem:$0x3FFD];
	_ =	sdelay $0x3  }
0x96: {  	_ =	strace s3  }
0x97: {  	_ =	strace $0x8FFFFFFF  }
0x98: {  	s19 =	sld [smem:$0x3FDB];
	_ =	sdelay $0x1  }
0x99: {  	s4 =	simm.s32 $_scs_section_size  }
0x9a: {  	s5 =	simm.s32 $_size__tile_overlayer_lowered;
	s6 =	simm.s32 $_tile_overlayer_lowered  }
0x9b: {  	s22 =	simm.s32 $0x1BFF;
	s21 =	sshll.u32 s6, $0x1;
	s3 =	sadd.s32 s4, s19  }
0x9c: {  	s7 =	simm.s32 $0x0;
	s20 =	sshll.u32 s5, $0x1;
	s5 =	sadd.s32 s21, s3  }
0x9d: {  	[timem:s7], [sflag:s22] =	dma.local [hbm:s5], s20  }
0x9e: {  	_ =	swait.ge [sflag:s22], s20  }
0x9f: {  	s4 =	ssub.s32 $0x0, s20;
	[sflag:s22] =	ssyncset.done $0x0  }
0xa0: {  	[sflag:s22] =	ssyncadd.s32 s4;
	_ =	sdelay $0x1  }
0xa1: {  	s23 =	simm.s32 $0x1B8B  }
0xa2: {  	_ =	swait.ge [sflag:s23], $0x1  }
0xa3: {  	[sflag:s23] =	ssyncset.done $0x0  }
0xa4: {  	s25 =	simm.s32 $0x1B8E;
	s24 =	sld [smem:$0x3FFE];
	[sflag:s23] =	ssyncadd.s32 $0xFFFFFFFF  }
0xa5: {  	s26 =	simm.s32 $execute0_lowered;
	[smem:$0x3FD2] =	sst s25  }
0xa6: {  	s5 =	sshll.u32 s26, $0x1;
	_ =	strace $0x80000046;
	[dreg:$0x1] =	wrdreg $0xFFFFFFFF  }
0xa7: {  	s28 =	simm.s32 $_size_execute0_lowered;
	s3 =	sadd.s32 s3, s5;
	[dreg:$0x0] =	wrdreg $0x0  }
0xa8: {  	s5 =	sshll.u32 s28, $0x1;
	[dreg:$0x2] =	wrdreg s3  }
0xa9: {  	[dreg:$0x3] =	wrdreg s5  }
0xaa: {  	[dreg:$0x4] =	wrdreg $0xC0  }
0xab: {  	_ =	task [dreg:s7], $0x5FFFF  }
0xac: {  	[dreg:$0x1] =	wrdreg $0xFFFFFFFF  }
0xad: {  	[dreg:$0x0] =	wrdreg $0x60  }
0xae: {  	[dreg:$0x2] =	wrdreg s24  }
0xaf: {  	[dreg:$0x3] =	wrdreg s2  }
0xb0: {  	[dreg:$0x4] =	wrdreg $0xAA000  }
0xb1: {  	[dreg:$0x5] =	wrdreg $0x9  }
0xb2: {  	_ =	task.clear_ibuf [dreg:s7], $0x6FFFF;
	_ =	strace $0x90000046  }
0xb3: {  	s29 =	simm.s32 $0x9;
	_ =	strace $0x80000048  }
0xb4: {  	_ =	swait.ge [sflag:s29], $0x1  }
0xb5: {  	[sflag:s29] =	ssyncadd.s32 $0xFFFFFFFF  }
0xb6: {  	_ =	strace $0x90000048  }
0xb7: {  	_ =	sfence  }
0xb8: {  	s30 =	sld [smem:$0x0];
	_ =	sdelay $0x2  }
0xb9: {  	s31 =	sshll.u32 s1, $0xD;
	s1 =	sshrl.u32 s1, $0x2  }
0xba: {  	s3 =	sand.u32 $0x4000, s31;
	s1 =	sadd.s32 s1, s30  }
0xbb: {  	s0 =	sor.u32 s3, s0;
	s1 =	sshll.u32 s1, $0x11  }
0xbc: {  	s0 =	sor.u32 s1, s0  }
0xbd: {  	s0 =	sadd.s32 $0x8F2B, s0  }
0xbe: {  	[sflag:s0] =	ssyncadd.remote.s32 $0x1  }
0xbf: {  	_ =	sfence.sel $0xFFFF  }
0xc0: {  	[dreg:$0x0] =	wrdreg $0xFFFFFFFF;
	(pc) =	sbr.abs _section_cstart, $3  }
0xc1: {  	[dreg:$0x1] =	wrdreg $0xFFFFFFFF  }
0xc2: {  	_ =	task.clear_ibuf [dreg:s7], $0x2FFFF;
	_ =	strace $0x9FFFFFFF  }
0xc3: {  	(tm) =	ssettm $0x7FFFFFFF  }
tec
execute0_lowered:
.L_overlay_start_1:
0x0: {  	(tag) =	ssettag $0x1  }
0x1: {  	s0 =	rddreg [dreg:$0x0]  }
0x2: {  	s1 =	rddreg [dreg:$0x1]  }
0x3: {  	s2 =	rddreg [dreg:$0x2];
	s4 =	simm.s32 $0x0;
	s3 =	srdreg.scid  }
0x4: {  	s12 =	stileid.u32;
	s30 =	simm.s32 $0xA00;
	s31 =	simm.s32 $0xB  }
0x5: {  	[smem:$0x7FF] =	sst s4;
	s3 =	sand.u32 $0x1, s3;
	s7 =	smul.u32 $0x4E000, s12  }
0x6: {  	s5 =	sadd.s32 $0xE00, s0;
	s6 =	sadd.s32 $0x3F600, s0;
	s14 =	smul.u32 $0xFA00, s12  }
0x7: {  	s0 =	sadd.s32 $0x8D800, s0;
	s20 =	sshll.u32 s12, $0xF;
	s22 =	smul.u32 $0x13800, s12  }
0x8: {  	p0 =	sne.s32 s12, $0xF;
	s12 =	simm.s32 $0x50;
	s7 =	sshrl.u32 s7, $0x2  }
0x9: {  	_ =	strace $0x80000047;
	s8 =	ssub.s32 $0x2, s3;
	s7 =	sadd.s32 s7, s2  }
0xa: {  	s28 =	smul.u32 $0xFA000, s3;
	s19 =	sshll.u32 s3, $0x13;
	s10 =	sadd.s32 $0x2800, s7  }
0xb: {  	s3 =	smul.u32 $0x138800, s3;
	s13 =	sadd.s32 $0x5000, s7;
	[dreg:$0x4] =	wrdreg s10  }
0xc: {  	s9 =	sshrl.u32 s8, $0x1;
	s11 =	sadd.s32 $0x7800, s7;
	[dreg:$0x5] =	wrdreg s13  }
0xd: {  	s8 =	ssub.s32 s8, s9;
	s15 =	sadd.s32 $0xA000, s7;
	[dreg:$0x6] =	wrdreg s11  }
0xe: {  	s9 =	sadd.s32 s22, s3;
	s16 =	sadd.s32 $0xC800, s7;
	[dreg:$0x7] =	wrdreg s15  }
0xf: {  	s3 =	sshrl.u32 s3, $0x3;
	s17 =	sadd.s32 $0xF000, s7;
	[dreg:$0x8] =	wrdreg s16  }
0x10: {  	s18 =	sadd.s32 $0x11800, s7;
	s9 =	sshrl.u32 s9, $0x3;
	[dreg:$0x9] =	wrdreg s17  }
0x11: {  	s26 =	smax.u32 s8, $0x1;
	[dreg:$0xa] =	wrdreg s18;
	s15 =	sadd.s32 s14, s28  }
0x12: {  	s16 =	sor.u32 s20, s19;
	s14 =	sadd.s32 $0x138000, s2;
	s9 =	sadd.s32 s0, s9  }
0x13: {  	s0 =	sadd.s32 s0, s3;
	[dreg:$0x11] =	wrdreg s26;
	s3 =	simm.s32 $0x400  }
0x14: {  	s21 =	sshrl.u32 s15, $0x3;
	[dreg:$0xe] =	wrdreg s9;
	s0 =	sadd.s32 $0x27000, s0  }
0x15: {  	s10 =	sshrl.u32 s16, $0x3;
	s11 =	sadd.s32 s5, s21;
	[dreg:$0x10] =	wrdreg s0  }
0x16: {  	s19 =	sadd.s32 s1, s10;
	s23 =	sadd.s32 $0x20, s11;
	[dreg:$0xb] =	wrdreg s11  }
0x17: {  	s13 =	simm.s32 $0x2;
	s24 =	sadd.s32 $0x10, s19;
	[dreg:$0xc] =	wrdreg s23  }
0x18: {  	s20 =	simm.s32 $0x3;
	s25 =	sadd.s32 $0x40, s11;
	[dreg:$0xd] =	wrdreg s24  }
0x19: {  	s0 =	simm.s32 $0x80;
	s28 =	sadd.s32 $0x60, s11;
	[dreg:$0xf] =	wrdreg s25  }
0x1a: {  	v0 =	vimm.f32 $0.0e+00;
	s26 =	sadd.s32 $0x20, s19;
	s29 =	sadd.s32 $0x30, s19;
	[dreg:$0x12] =	wrdreg s28  }
.LBB2_1:
0x1b: {  	s8 =	simm.s32 $0x0;
	s9 =	simm.s32 $0x200  }
.LBB2_2:
0x1c: {  	p1 =	sne.s32 s9, $0x9E00;
	[tilespmem:s8+$0xA70] =	vst v0  }
0x1d: {  	[tilespmem:s8+$0xA00] =	vst v0  }
0x1e: {  	[tilespmem:s8+$0xA10] =	vst v0  }
.Ltmp0:
0x1f: {  	[tilespmem:s8+$0xA20] =	vst v0;
	(pc) =	sbr.rel @p1 .LBB2_2-.Ltmp0, $4  }
0x20: {  	[tilespmem:s8+$0xA30] =	vst v0  }
0x21: {  	[tilespmem:s8+$0xA40] =	vst v0  }
0x22: {  	[tilespmem:s8+$0xA50] =	vst v0  }
0x23: {  	[tilespmem:s8+$0xA60] =	vst v0;
	s8 =	sshra.s32 s9, $0x2;
	s9 =	sadd.s32 $0x200, s9  }
0x24: {  	[tilespmem:s8+$0xA70] =	vst v0  }
0x25: {  	[tilespmem:s8+$0xA00] =	vst v0  }
0x26: {  	[tilespmem:s8+$0xA10] =	vst v0  }
0x27: {  	[tilespmem:s8+$0xA20] =	vst v0  }
0x28: {  	[tilespmem:s8+$0xA30] =	vst v0  }
0x29: {  	[tilespmem:s8+$0xA40] =	vst v0  }
0x2a: {  	[tilespmem:s8+$0xA50] =	vst v0  }
0x2b: {  	[tilespmem:s8+$0xA60] =	vst v0  }
0x2c: {  	[spmem:s7] =	stream.linear.scatter [tilespmem:s30], [sflag:$0xB], $0x2800, $0x38;
	[tilespmem:$0x1E280] =	vst v63  }
0x2d: {  	_ =	swait.ge [sflag:s31], $0x2800  }
0x2e: {  	[sflag:s31] =	ssyncset.done $0x0  }
0x2f: {  	s10 =	rddreg [dreg:$0x4];
	[sflag:s31] =	ssyncadd.s32 $0xFFFFD800  }
0x30: {  	[spmem:s10] =	stream.linear.scatter [tilespmem:s30], [sflag:$0xB], $0x2800, $0x38;
	[tilespmem:$0x1E280] =	vst v63  }
0x31: {  	_ =	swait.ge [sflag:s31], $0x2800  }
0x32: {  	[sflag:s31] =	ssyncset.done $0x0  }
0x33: {  	s11 =	rddreg [dreg:$0x5];
	[sflag:s31] =	ssyncadd.s32 $0xFFFFD800  }
0x34: {  	[spmem:s11] =	stream.linear.scatter [tilespmem:s30], [sflag:$0xB], $0x2800, $0x38;
	[tilespmem:$0x1E280] =	vst v63  }
0x35: {  	_ =	swait.ge [sflag:s31], $0x2800  }
0x36: {  	[sflag:s31] =	ssyncset.done $0x0  }
0x37: {  	s17 =	rddreg [dreg:$0x6];
	[sflag:s31] =	ssyncadd.s32 $0xFFFFD800  }
0x38: {  	[spmem:s17] =	stream.linear.scatter [tilespmem:s30], [sflag:$0xB], $0x2800, $0x38;
	[tilespmem:$0x1E280] =	vst v63  }
0x39: {  	_ =	swait.ge [sflag:s31], $0x2800  }
0x3a: {  	[sflag:s31] =	ssyncset.done $0x0  }
0x3b: {  	s18 =	rddreg [dreg:$0x7];
	[sflag:s31] =	ssyncadd.s32 $0xFFFFD800  }
0x3c: {  	[spmem:s18] =	stream.linear.scatter [tilespmem:s30], [sflag:$0xB], $0x2800, $0x38;
	[tilespmem:$0x1E280] =	vst v63  }
0x3d: {  	_ =	swait.ge [sflag:s31], $0x2800  }
0x3e: {  	[sflag:s31] =	ssyncset.done $0x0  }
0x3f: {  	s21 =	rddreg [dreg:$0x8];
	[sflag:s31] =	ssyncadd.s32 $0xFFFFD800  }
0x40: {  	[spmem:s21] =	stream.linear.scatter [tilespmem:s30], [sflag:$0xB], $0x2800, $0x38;
	[tilespmem:$0x1E280] =	vst v63  }
0x41: {  	_ =	swait.ge [sflag:s31], $0x2800  }
0x42: {  	[sflag:s31] =	ssyncset.done $0x0  }
0x43: {  	s22 =	rddreg [dreg:$0x9];
	[sflag:s31] =	ssyncadd.s32 $0xFFFFD800  }
0x44: {  	[spmem:s22] =	stream.linear.scatter [tilespmem:s30], [sflag:$0xB], $0x2800, $0x38;
	[tilespmem:$0x1E280] =	vst v63  }
0x45: {  	_ =	swait.ge [sflag:s31], $0x2800  }
0x46: {  	[sflag:s31] =	ssyncset.done $0x0  }
0x47: {  	s23 =	rddreg [dreg:$0xa];
	[sflag:s31] =	ssyncadd.s32 $0xFFFFD800  }
0x48: {  	[spmem:s23] =	stream.linear.scatter [tilespmem:s30], [sflag:$0xB], $0x2000, $0x38;
	[tilespmem:$0x1E280] =	vst v63  }
0x49: {  	_ =	swait.ge [sflag:s31], $0x2000  }
0x4a: {  	[sflag:s31] =	ssyncset.done $0x0  }
0x4b: {  	s8 =	simm.s32 @!p0 $0xA00;
	[sflag:s31] =	ssyncadd.s32 $0xFFFFE000  }
0x4c: {  	[spmem:s14] =	stream.linear.scatter @!p0 [tilespmem:s8], [sflag:$0xB], $0x800, $0x38;
	[tilespmem:$0x1E280] =	vst v63  }
0x4d: {  	s8 =	simm.s32 @!p0 $0xB  }
0x4e: {  	_ =	swait.ge @!p0 [sflag:s8], $0x800  }
0x4f: {  	[sflag:s8] =	ssyncset.done @!p0 $0x0  }
0x50: {  	[sflag:s8] =	ssyncadd.s32 @!p0 $0xFFFFF800  }
0x51: {  	[bflag:$0x0] =	sbarrier.arrive $0xFFFF  }
0x52: {  	s22 =	simm.s32 $0x0;
	s24 =	rddreg [dreg:$0xb]  }
0x53: {  	[tilespmem:s22], [sflag:$0xB] =	stream.linear.gather [hbm4b:s24+s22], $0x100, $0x38;
	[tilespmem:$0x1E280] =	vst v63  }
0x54: {  	_ =	swait.ge [sflag:s31], $0x100  }
0x55: {  	[sflag:s31] =	ssyncset.done $0x0  }
0x56: {  	s23 =	simm.s32 $0x600;
	[sflag:s31] =	ssyncadd.s32 $0xFFFFFF00  }
0x57: {  	[tilespmem:s23], [sflag:$0xB] =	stream.strided.gather [hbm4b:s19+s0], $0x0, s3, s0, $0x38;
	[tilespmem:$0x1E280] =	vst v63  }
0x58: {  	_ = 	snop  }
0x59: {  	[tilespmem:s23], [sflag:$0xB] =	stream.linear.gather [hbm4b:s19+s22], $0x50, $0x38;
	[tilespmem:$0x1E280] =	vst v63  }
0x5a: {  	_ =	swait.ge [sflag:s31], $0x50  }
0x5b: {  	[sflag:s31] =	ssyncset.done $0x0  }
0x5c: {  	s9 =	simm.s32 $0x100;
	s25 =	rddreg [dreg:$0xc];
	[sflag:s31] =	ssyncadd.s32 $0xFFFFFFB0  }
0x5d: {  	[tilespmem:s9], [sflag:$0x2] =	stream.linear.gather [hbm4b:s25+s22], $0x100, $0x38;
	[tilespmem:$0x1E280] =	vst v63  }
0x5e: {  	s10 =	simm.s32 $0x680;
	s28 =	rddreg [dreg:$0xd]  }
0x5f: {  	[tilespmem:s10], [sflag:$0x2] =	stream.strided.gather [hbm4b:s28+s0], $0x0, s3, s0, $0x38;
	[tilespmem:$0x1E280] =	vst v63  }
0x60: {  	_ = 	snop  }
0x61: {  	[tilespmem:s10], [sflag:$0x2] =	stream.linear.gather [hbm4b:s28+s22], $0x50, $0x38;
	[tilespmem:$0x1E280] =	vst v63  }
0x62: {  	s11 =	simm.s32 $0x200;
	s10 =	rddreg [dreg:$0xf]  }
0x63: {  	[tilespmem:s11], [sflag:$0x3] =	stream.linear.gather [hbm4b:s10+s22], $0x100, $0x38;
	[tilespmem:$0x1E280] =	vst v63  }
0x64: {  	s21 =	smov.u32 s14;
	s14 =	simm.s32 $0x700  }
0x65: {  	[tilespmem:s14], [sflag:$0x3] =	stream.strided.gather [hbm4b:s26+s0], $0x0, s3, s0, $0x38;
	[tilespmem:$0x1E280] =	vst v63  }
0x66: {  	_ = 	snop  }
0x67: {  	[tilespmem:s14], [sflag:$0x3] =	stream.linear.gather [hbm4b:s26+s22], $0x50, $0x38;
	[tilespmem:$0x1E280] =	vst v63  }
0x68: {  	_ = 	snop  }
0x69: {  	[tilespmem:s30], [sflag:$0x7] =	stream.indirect.gather [hbm4b:s6+s12], $0x80, s22, s12, $0xb8;
	[tilespmem:$0x1E280] =	vst v63  }
0x6a: {  	_ =	swait.ge [sflag:s13], $0x100  }
0x6b: {  	[sflag:s13] =	ssyncset.done $0x0  }
0x6c: {  	[sflag:s13] =	ssyncadd.s32 $0xFFFFFF00  }
0x6d: {  	_ =	swait.ge [sflag:s13], $0x50  }
0x6e: {  	[sflag:s13] =	ssyncset.done $0x0  }
0x6f: {  	s17 =	simm.s32 $0x3200;
	[sflag:s13] =	ssyncadd.s32 $0xFFFFFFB0  }
0x70: {  	[tilespmem:s17], [sflag:$0x8] =	stream.indirect.gather [hbm4b:s6+s12], $0x80, s9, s12, $0xb8;
	[tilespmem:$0x1E280] =	vst v63  }
0x71: {  	s24 =	simm.s32 $0x300;
	s18 =	rddreg [dreg:$0x12]  }
0x72: {  	[tilespmem:s24], [sflag:$0x4] =	stream.linear.gather [hbm4b:s18+s22], $0x100, $0x38;
	[tilespmem:$0x1E280] =	vst v63  }
0x73: {  	s25 =	simm.s32 $0x780  }
0x74: {  	[tilespmem:s25], [sflag:$0x4] =	stream.strided.gather [hbm4b:s29+s0], $0x0, s3, s0, $0x38;
	[tilespmem:$0x1E280] =	vst v63  }
0x75: {  	_ = 	snop  }
0x76: {  	[tilespmem:s25], [sflag:$0x4] =	stream.linear.gather [hbm4b:s29+s22], $0x50, $0x38;
	[tilespmem:$0x1E280] =	vst v63  }
0x77: {  	_ =	swait.ge [sflag:s20], $0x100  }
0x78: {  	[sflag:s20] =	ssyncset.done $0x0  }
0x79: {  	[sflag:s20] =	ssyncadd.s32 $0xFFFFFF00  }
0x7a: {  	_ =	swait.ge [sflag:s20], $0x50  }
0x7b: {  	[sflag:s20] =	ssyncset.done $0x0  }
0x7c: {  	s28 =	simm.s32 $0x5A00;
	s24 =	simm.s32 $0x0;
	[sflag:s20] =	ssyncadd.s32 $0xFFFFFFB0  }
0x7d: {  	[tilespmem:s28], [sflag:$0x9] =	stream.indirect.gather [hbm4b:s6+s12], $0x80, s11, s12, $0xb8;
	[tilespmem:$0x1E280] =	vst v63  }
.LBB2_4:
0x7e: {  	p1 =	sgt.u32 s24, $0xF6  }
0x7f: {  	s9 =	sadd.s32 @!p1 $0x3, s24  }
0x80: {  	s8 =	smul.u32 @!p1 $0xAB, s9;
	_ =	sdelay $0x1  }
0x81: {  	s8 =	sshrl.u32 @!p1 s8, $0xA  }
0x82: {  	s10 =	sand.u32 @!p1 $0x3F, s8  }
0x83: {  	s8 =	sand.u32 $0x3, s24;
	s10 =	smul.u32 @!p1 $0x6, s10  }
0x84: {  	s11 =	sadd.s32 $0x7, s8  }
0x85: {  	_ =	swait.ge [sflag:s11], $0x2800;
	s10 =	ssub.s32 @!p1 s9, s10  }
0x86: {  	[sflag:s11] =	ssyncset.done $0x0;
	s10 =	sand.u32 @!p1 $0xFF, s10  }
0x87: {  	s25 =	sadd.s32 $0x4, s24;
	[sflag:s11] =	ssyncadd.s32 $0xFFFFD800;
	s11 =	sadd.s32 @!p1 $0x1, s10  }
0x88: {  	s28 =	sand.u32 $0xFF, s25;
	_ =	swait.ge @!p1 [sflag:s11], $0x100  }
0x89: {  	s28 =	smul.u32 $0xAB, s28;
	s9 =	sand.u32 @!p1 $0x3, s9;
	[sflag:s11] =	ssyncset.done @!p1 $0x0  }
0x8a: {  	p2 =	seq.s32 @!p1 s24, $0xF6;
	s14 =	smul.u32 @!p1 $0xA000, s9;
	[sflag:s11] =	ssyncadd.s32 @!p1 $0xFFFFFF00  }
0x8b: {  	s28 =	sshrl.u32 s28, $0xA;
	s9 =	sadd.s32 @!p1 $0x7, s9;
	_ =	swait.ge @!p1 [sflag:s11], $0x50  }
0x8c: {  	s10 =	sshll.u32 @!p1 s10, $0x8;
	s14 =	sshrl.u32 @!p1 s14, $0x2;
	[sflag:s11] =	ssyncset.done @!p1 $0x0  }
0x8d: {  	[sflag:s11] =	ssyncadd.s32 @!p1 $0xFFFFFFB0;
	s11 =	sadd.s32 @!p1 $0xA00, s14;
	s14 =	simm.s32 @!p1 $0x50  }
0x8e: {  	[tilespmem:s11], [sflag:s9] =	stream.indirect.gather @!p1 [hbm4b:s6+s14], $0x80, s10, s14, $0xb8;
	[tilespmem:$0x1E280] =	vst v63  }
0x8f: {  	s17 =	smul.u32 $0x6, s28;
	p1 =	por p2, p1  }
0x90: {  	s10 =	sshll.u32 @!p1 s25, $0x8  }
0x91: {  	s9 =	ssub.s32 s25, s17;
	s10 =	sadd.s32 @!p1 s15, s10  }
0x92: {  	s9 =	sand.u32 $0xFF, s9;
	s28 =	simm.s32 @!p1 $0x0;
	s10 =	sshrl.u32 @!p1 s10, $0x3  }
0x93: {  	s14 =	sadd.s32 @!p1 $0x1, s9;
	s11 =	sshll.u32 @!p1 s9, $0x8;
	s10 =	sadd.s32 @!p1 s5, s10  }
0x94: {  	[tilespmem:s11], [sflag:s14] =	stream.linear.gather @!p1 [hbm4b:s10+s28], $0x100, $0x38;
	[tilespmem:$0x1E280] =	vst v63  }
0x95: {  	s18 =	smulhi.u32 $0xAAAAAAAB, s24;
	s11 =	sshll.u32 @!p1 s25, $0x7  }
0x96: {  	s25 =	sand.u32 @!p1 $0xFC00, s11  }
0x97: {  	s10 =	sshrl.u32 s18, $0x2;
	s18 =	sand.u32 @!p1 $0x380, s11;
	s25 =	sadd.s32 @!p1 s16, s25  }
0x98: {  	s9 =	sshll.u32 @!p1 s9, $0x7;
	s11 =	smul.u32 $0xFFFFF400, s10;
	s10 =	sor.u32 @!p1 s18, s25  }
0x99: {  	s17 =	simm.s32 @!p1 $0x400;
	s9 =	sadd.s32 @!p1 $0x600, s9;
	s10 =	sshrl.u32 @!p1 s10, $0x3  }
0x9a: {  	s18 =	sand.u32 $0x3, s22;
	s25 =	simm.s32 @!p1 $0x80;
	s10 =	sadd.s32 @!p1 s1, s10  }
0x9b: {  	[tilespmem:s9], [sflag:s14] =	stream.strided.gather @!p1 [hbm4b:s10+s25], $0x0, s17, s25, $0x38;
	[tilespmem:$0x1E280] =	vst v63  }
0x9c: {  	s25 =	smul.u32 $0xA000, s18;
	s18 =	sshra.s32 s11, $0x2  }
0x9d: {  	[tilespmem:s9], [sflag:s14] =	stream.linear.gather @!p1 [hbm4b:s10+s28], $0x50, $0x38;
	[tilespmem:$0x1E280] =	vst v63  }
0x9e: {  	s9 =	sadd.s32 s18, s23  }
0x9f: {  	v1 =	vld.msk [tilespmem:s9+$0x3 ss:$0x0], $0xffff  }
0xa0: {  	v3 =	vld.msk [tilespmem:s9+$0x0 ss:$0x0], $0xffff  }
0xa1: {  	s25 =	sshrl.u32 s25, $0x2;
	v11 =	vld.msk [tilespmem:s9+$0x1 ss:$0x0], $0xffff  }
0xa2: {  	s25 =	sadd.s32 $0xB00, s25;
	v13 =	vld.msk [tilespmem:s9+$0x2 ss:$0x0], $0xffff  }
0xa3: {  	v4 =	vld [tilespmem:s25+$0xFFFFFF00]  }
0xa4: {  	v2 =	vld [tilespmem:s25+$0xF0]  }
0xa5: {  	v5 =	vld [tilespmem:s25+$0xFFFFFF10]  }
0xa6: {  	v10 =	vld [tilespmem:s25+$0xFFFFFF60]  }
0xa7: {  	v6 =	vld [tilespmem:s25+$0xFFFFFF20]  }
0xa8: {  	v7 =	vld [tilespmem:s25+$0xFFFFFF30];
	v4 =	vmul.f32 v3, v4  }
0xa9: {  	v8 =	vld [tilespmem:s25+$0xFFFFFF40];
	v2 =	vmul.f32 v2, v1  }
0xaa: {  	v9 =	vld [tilespmem:s25+$0xFFFFFF50];
	v5 =	vmul.f32 v5, v3;
	[tilespmem:s25+$0xFFFFFF00] =	vst v4  }
0xab: {  	v12 =	vld [tilespmem:s25+$0xFFFFFF80];
	v10 =	vmul.f32 v10, v3;
	[tilespmem:s25+$0xF0] =	vst v2  }
0xac: {  	v4 =	vld [tilespmem:s25+$0xFFFFFF70];
	v2 =	vmul.f32 v6, v3;
	[tilespmem:s25+$0xFFFFFF10] =	vst v5  }
0xad: {  	v6 =	vld [tilespmem:s25+$0xFFFFFF90];
	v5 =	vmul.f32 v7, v3;
	[tilespmem:s25+$0xFFFFFF60] =	vst v10  }
0xae: {  	v7 =	vld [tilespmem:s25+$0xFFFFFFA0];
	[tilespmem:s25+$0xFFFFFF20] =	vst v2;
	v2 =	vmul.f32 v8, v3  }
0xaf: {  	v8 =	vld [tilespmem:s25+$0xFFFFFFB0];
	[tilespmem:s25+$0xFFFFFF30] =	vst v5;
	v5 =	vmul.f32 v9, v3  }
0xb0: {  	v9 =	vld [tilespmem:s25+$0xFFFFFFC0];
	[tilespmem:s25+$0xFFFFFF40] =	vst v2;
	v2 =	vmul.f32 v11, v12  }
0xb1: {  	v63 =	vld [tilespmem:s25+$0xFFFFFFD0];
	[tilespmem:s25+$0xFFFFFF50] =	vst v5;
	v3 =	vmul.f32 v4, v3  }
0xb2: {  	v4 =	vld [tilespmem:s25+$0xFFFFFFF0];
	[tilespmem:s25+$0xFFFFFF80] =	vst v2;
	v2 =	vmul.f32 v6, v11  }
0xb3: {  	v5 =	vld [tilespmem:s25+$0xFFFFFFE0];
	[tilespmem:s25+$0xFFFFFF70] =	vst v3;
	v3 =	vmul.f32 v7, v11  }
0xb4: {  	v6 =	vld [tilespmem:s25+$0x0];
	[tilespmem:s25+$0xFFFFFF90] =	vst v2;
	v2 =	vmul.f32 v8, v11  }
0xb5: {  	v7 =	vld [tilespmem:s25+$0x10];
	[tilespmem:s25+$0xFFFFFFA0] =	vst v3;
	v3 =	vmul.f32 v9, v11  }
0xb6: {  	v8 =	vld [tilespmem:s25+$0x20];
	[tilespmem:s25+$0xFFFFFFB0] =	vst v2;
	v2 =	vmul.f32 v63, v11  }
0xb7: {  	v9 =	vld [tilespmem:s25+$0x30];
	v4 =	vmul.f32 v4, v11;
	[tilespmem:s25+$0xFFFFFFC0] =	vst v3  }
0xb8: {  	v3 =	vmul.f32 v5, v11;
	v5 =	vld [tilespmem:s25+$0x40];
	[tilespmem:s25+$0xFFFFFFD0] =	vst v2  }
0xb9: {  	s10 =	smul.u32 $0xAB, s24;
	v2 =	vmul.f32 v13, v6;
	v6 =	vld [tilespmem:s25+$0x50];
	[tilespmem:s25+$0xFFFFFFF0] =	vst v4  }
0xba: {  	v10 =	vld [tilespmem:s25+$0x60];
	[tilespmem:s25+$0xFFFFFFE0] =	vst v3;
	v3 =	vmul.f32 v7, v13  }
0xbb: {  	s9 =	sshrl.u32 s10, $0xA;
	v7 =	vld [tilespmem:s25+$0x70];
	[tilespmem:s25+$0x0] =	vst v2;
	v2 =	vmul.f32 v8, v13  }
0xbc: {  	s14 =	smul.u32 $0xA000, s8;
	s9 =	sand.u32 $0x3F, s9;
	v4 =	vld [tilespmem:s25+$0x80];
	[tilespmem:s25+$0x10] =	vst v3;
	v3 =	vmul.f32 v9, v13  }
0xbd: {  	s9 =	smul.u32 $0x6, s9;
	[tilespmem:s25+$0x20] =	vst v2;
	v5 =	vmul.f32 v5, v13;
	v2 =	vld [tilespmem:s25+$0x90]  }
0xbe: {  	s11 =	sadd.s32 $0x10, s11;
	[tilespmem:s25+$0x30] =	vst v3;
	v6 =	vmul.f32 v6, v13;
	v3 =	vld [tilespmem:s25+$0xA0]  }
0xbf: {  	s18 =	sshrl.u32 s14, $0x2;
	s10 =	simm.s32 $0x0;
	s17 =	ssub.s32 s24, s9;
	v8 =	vmul.f32 v10, v13;
	[tilespmem:s25+$0x40] =	vst v5;
	v5 =	vld [tilespmem:s25+$0xB0]  }
0xc0: {  	s28 =	smov.u32 s25;
	s9 =	sadd.s32 $0xA00, s18;
	s8 =	sand.u32 $0xFF, s17;
	v7 =	vmul.f32 v7, v13;
	[tilespmem:s25+$0x50] =	vst v6;
	v6 =	vld [tilespmem:s25+$0xC0]  }
.LBB2_5:
0xc1: {  	s14 =	sshra.s32 s11, $0x2;
	s10 =	sadd.s32 $0x4, s10;
	[tilespmem:s25+$0x60] =	vst v8;
	v4 =	vmul.f32 v1, v4;
	v8 =	vld [tilespmem:s25+$0xD0]  }
0xc2: {  	s14 =	sadd.s32 s14, s23;
	p1 =	slt.u32 s10, $0x4C;
	[tilespmem:s25+$0x70] =	vst v7;
	v2 =	vmul.f32 v2, v1;
	v7 =	vld [tilespmem:s25+$0xE0]  }
0xc3: {  	s25 =	sadd.s32 $0x200, s25;
	v9 =	vld.msk [tilespmem:s14+$0x3 ss:$0x0], $0xffff;
	[tilespmem:s28+$0x80] =	vst v4;
	v3 =	vmul.f32 v3, v1  }
0xc4: {  	v4 =	vld [tilespmem:s25+$0xF0];
	[tilespmem:s28+$0x90] =	vst v2;
	v2 =	vmul.f32 v5, v1  }
0xc5: {  	v5 =	vld.msk [tilespmem:s14+$0x0 ss:$0x0], $0xffff;
	[tilespmem:s28+$0xA0] =	vst v3;
	v3 =	vmul.f32 v6, v1  }
0xc6: {  	v6 =	vld.msk [tilespmem:s14+$0x1 ss:$0x0], $0xffff;
	[tilespmem:s28+$0xB0] =	vst v2;
	v2 =	vmul.f32 v8, v1  }
0xc7: {  	v10 =	vld.msk [tilespmem:s14+$0x2 ss:$0x0], $0xffff;
	[tilespmem:s28+$0xC0] =	vst v3;
	v7 =	vmul.f32 v7, v1  }
0xc8: {  	v3 =	vld [tilespmem:s25+$0xFFFFFF00];
	[tilespmem:s28+$0xD0] =	vst v2  }
0xc9: {  	v1 =	vmov v9;
	v2 =	vld [tilespmem:s25+$0xFFFFFF10];
	v4 =	vmul.f32 v4, v9;
	[tilespmem:s28+$0xE0] =	vst v7;
	s28 =	smov.u32 s25  }
0xca: {  	v7 =	vld [tilespmem:s25+$0xFFFFFF20]  }
0xcb: {  	v8 =	vld [tilespmem:s25+$0xFFFFFF30];
	[tilespmem:s25+$0xF0] =	vst v4  }
0xcc: {  	v4 =	vld [tilespmem:s25+$0xFFFFFF40]  }
0xcd: {  	v3 =	vmul.f32 v5, v3;
	v9 =	vld [tilespmem:s25+$0xFFFFFF50]  }
0xce: {  	v2 =	vmul.f32 v2, v5;
	v11 =	vld [tilespmem:s25+$0xFFFFFF60]  }
0xcf: {  	[tilespmem:s25+$0xFFFFFF00] =	vst v3;
	v3 =	vmul.f32 v7, v5;
	v7 =	vld [tilespmem:s25+$0xFFFFFF70]  }
0xd0: {  	[tilespmem:s25+$0xFFFFFF10] =	vst v2;
	v2 =	vmul.f32 v8, v5;
	v8 =	vld [tilespmem:s25+$0xFFFFFF80]  }
0xd1: {  	[tilespmem:s25+$0xFFFFFF20] =	vst v3;
	v3 =	vmul.f32 v4, v5;
	v4 =	vld [tilespmem:s25+$0xFFFFFF90]  }
0xd2: {  	[tilespmem:s25+$0xFFFFFF30] =	vst v2;
	v2 =	vmul.f32 v9, v5;
	v9 =	vld [tilespmem:s25+$0xFFFFFFA0]  }
0xd3: {  	[tilespmem:s25+$0xFFFFFF40] =	vst v3;
	v3 =	vmul.f32 v11, v5;
	v11 =	vld [tilespmem:s25+$0xFFFFFFB0]  }
0xd4: {  	[tilespmem:s25+$0xFFFFFF50] =	vst v2;
	v2 =	vmul.f32 v7, v5;
	v5 =	vld [tilespmem:s25+$0xFFFFFFC0]  }
0xd5: {  	[tilespmem:s25+$0xFFFFFF60] =	vst v3;
	v3 =	vmul.f32 v6, v8;
	v7 =	vld [tilespmem:s25+$0xFFFFFFD0]  }
0xd6: {  	[tilespmem:s25+$0xFFFFFF70] =	vst v2;
	v2 =	vmul.f32 v4, v6;
	v4 =	vld [tilespmem:s25+$0xFFFFFFE0]  }
0xd7: {  	[tilespmem:s25+$0xFFFFFF80] =	vst v3;
	v3 =	vmul.f32 v9, v6;
	v8 =	vld [tilespmem:s25+$0xFFFFFFF0]  }
0xd8: {  	[tilespmem:s25+$0xFFFFFF90] =	vst v2;
	v2 =	vmul.f32 v11, v6;
	v9 =	vld [tilespmem:s25+$0x0]  }
0xd9: {  	[tilespmem:s25+$0xFFFFFFA0] =	vst v3;
	v3 =	vmul.f32 v5, v6;
	v5 =	vld [tilespmem:s25+$0x10]  }
0xda: {  	[tilespmem:s25+$0xFFFFFFB0] =	vst v2;
	v2 =	vmul.f32 v7, v6;
	v7 =	vld [tilespmem:s25+$0x20]  }
0xdb: {  	[tilespmem:s25+$0xFFFFFFC0] =	vst v3;
	v3 =	vmul.f32 v4, v6;
	v4 =	vld [tilespmem:s25+$0x30]  }
0xdc: {  	[tilespmem:s25+$0xFFFFFFD0] =	vst v2;
	v2 =	vmul.f32 v8, v6;
	v6 =	vld [tilespmem:s25+$0x40]  }
0xdd: {  	[tilespmem:s25+$0xFFFFFFE0] =	vst v3;
	v3 =	vmul.f32 v10, v9;
	v8 =	vld [tilespmem:s25+$0x50]  }
0xde: {  	[tilespmem:s25+$0xFFFFFFF0] =	vst v2;
	v2 =	vmul.f32 v5, v10;
	v5 =	vld [tilespmem:s25+$0x60]  }
0xdf: {  	[tilespmem:s25+$0x0] =	vst v3;
	v3 =	vmul.f32 v7, v10;
	v7 =	vld [tilespmem:s25+$0x70]  }
.Ltmp1:
0xe0: {  	[tilespmem:s25+$0x10] =	vst v2;
	v9 =	vmul.f32 v4, v10;
	v4 =	vld [tilespmem:s25+$0x80];
	(pc) =	sbr.rel @p1 .LBB2_5-.Ltmp1, $4  }
0xe1: {  	[tilespmem:s25+$0x20] =	vst v3;
	v6 =	vmul.f32 v6, v10;
	v2 =	vld [tilespmem:s25+$0x90]  }
0xe2: {  	[tilespmem:s25+$0x30] =	vst v9;
	v9 =	vmul.f32 v8, v10;
	v3 =	vld [tilespmem:s25+$0xA0]  }
0xe3: {  	[tilespmem:s25+$0x40] =	vst v6;
	v8 =	vmul.f32 v5, v10;
	v5 =	vld [tilespmem:s25+$0xB0]  }
0xe4: {  	s11 =	sadd.s32 $0x10, s11;
	[tilespmem:s25+$0x50] =	vst v9;
	v7 =	vmul.f32 v7, v10;
	v6 =	vld [tilespmem:s25+$0xC0]  }
0xe5: {  	[tilespmem:s25+$0x60] =	vst v8;
	v4 =	vmul.f32 v1, v4;
	v62 =	vld [tilespmem:s25+$0xD0]  }
0xe6: {  	v63 =	vld [tilespmem:s25+$0xE0];
	[tilespmem:s25+$0x70] =	vst v7;
	v2 =	vmul.f32 v2, v1  }
0xe7: {  	[tilespmem:s28+$0x80] =	vst v4;
	v3 =	vmul.f32 v3, v1  }
0xe8: {  	[tilespmem:s28+$0x90] =	vst v2;
	v2 =	vmul.f32 v5, v1  }
0xe9: {  	[tilespmem:s28+$0xA0] =	vst v3;
	v3 =	vmul.f32 v6, v1  }
0xea: {  	[tilespmem:s28+$0xB0] =	vst v2;
	v2 =	vmul.f32 v62, v1  }
0xeb: {  	s24 =	sadd.s32 $0x1, s24;
	v1 =	vmul.f32 v63, v1;
	[tilespmem:s28+$0xC0] =	vst v3  }
0xec: {  	s8 =	sshll.u32 s8, $0x8;
	p1 =	sne.s32 s24, $0xFA;
	[tilespmem:s28+$0xD0] =	vst v2  }
.Ltmp2:
0xed: {  	s8 =	sor.u32 $0x80, s8;
	[tilespmem:s28+$0xE0] =	vst v1;
	(pc) =	sbr.rel @p1 .LBB2_4-.Ltmp2, $4  }
0xee: {  	[spmem:s2] =	stream.indirect.scatter.add.f32 [tilespmem:s9], [sflag:$0xB], $0x80, s8, s12, $0xb8;
	[tilespmem:$0x1E280] =	vst v63  }
0xef: {  	_ =	swait.ge [sflag:s31], $0x2800  }
0xf0: {  	[sflag:s31] =	ssyncset.done $0x0  }
0xf1: {  	s23 =	sadd.s32 $0x80, s23;
	s22 =	sadd.s32 $0x1, s22;
	[sflag:s31] =	ssyncadd.s32 $0xFFFFD800  }
0xf2: {  	s8 =	stileid.u32  }
0xf3: {  	[bflag:$0x0] =	sbarrier.arrive $0xFFFF;
	s8 =	sshll.u32 s8, $0x6  }
0xf4: {  	s9 =	sshrl.u32 s7, $0x3;
	s10 =	rddreg [dreg:$0xe];
	s8 =	sor.u32 $0x1C0B, s8  }
0xf5: {  	[hbm:s10], [sflag:s8] =	dma.local [spmem:s9], $0x2700  }
0xf6: {  	_ =	swait.ge [sflag:s31], $0x2700  }
0xf7: {  	[sflag:s31] =	ssyncset.done $0x0  }
0xf8: {  	s9 =	sshrl.u32 @!p0 s21, $0x3;
	s10 =	rddreg [dreg:$0x10];
	[sflag:s31] =	ssyncadd.s32 $0xFFFFD900  }
0xf9: {  	[hbm:s10], [sflag:s8] =	dma.local @!p0 [spmem:s9], $0x100  }
0xfa: {  	s8 =	simm.s32 @!p0 $0xB  }
0xfb: {  	_ =	swait.ge @!p0 [sflag:s8], $0x100  }
0xfc: {  	s4 =	sadd.s32 $0x1, s4;
	s28 =	rddreg [dreg:$0x11]  }
0xfd: {  	p1 =	sne.s32 s4, s28  }
.Ltmp3:
0xfe: {  	_ = 	snop;
	(pc) =	sbr.rel @p1 .LBB2_1-.Ltmp3, $3  }
0xff: {  	_ =	sdelay $0x1  }
0x100: {  	[sflag:s8] =	ssyncset.done @!p0 $0x0  }
0x101: {  	s14 =	smov.u32 s21;
	[sflag:s8] =	ssyncadd.s32 @!p0 $0xFFFFFF00  }
0x102: {  	_ =	sfence.sel $0x180000  }
0x103: {  	[bflag:$0x0] =	sbarrier.arrive $0xFFFF  }
0x104: {  	_ =	strace $0x90000047  }
0x105: {  	s0 =	stileid.u32;
	[bflag:$0x2] =	sbarrier.arrive $0xFFFF  }
0x106: {  	p0 =	sne.s32 s0, $0x0;
	s0 =	rddreg [dreg:$0x3]  }
0x107: {  	s0 =	sadd.s32 @!p0 $0x100000, s0  }
0x108: {  	[sflag:s0] =	ssyncadd.tile.s32 @!p0 $0x1;
	_ =	shalt  }
.Lfunc_end2:
_tile_overlayer_lowered:
.L_overlay_start_2:
0x109: {  	(tag) =	ssettag $0x2  }
0x10a: {  	s0 =	rddreg [dreg:$0x0];
	s2 =	stileid.u32  }
0x10b: {  	s1 =	rddreg [dreg:$0x1];
	p0 =	sne.s32 s2, $0x0  }
0x10c: {  	s3 =	rddreg [dreg:$0x2];
	[bflag:$0x3] =	sbarrier.arrive $0xFFFF;
	s2 =	simm.s32 @!p0 $0x1C0B  }
0x10d: {  	[timem:s3], [sflag:s2] =	dma.local @!p0 [hbm:s0], s1  }
0x10e: {  	s0 =	simm.s32 @!p0 $0xB  }
0x10f: {  	_ =	swait.ge @!p0 [sflag:s0], s1  }
0x110: {  	s1 =	ssub.s32 @!p0 $0x0, s1;
	[sflag:s0] =	ssyncset.done @!p0 $0x0  }
0x111: {  	[sflag:s0] =	ssyncadd.s32 @!p0 s1  }
0x112: {  	[bflag:$0x3] =	sbarrier.arrive $0xFFFF  }
0x113: {  	_ =	shalt  }

</sc_bundles>
